<compile_context>
chip_gen: v7x
topology: tpu7x:2x2x1
jax: 0.10.2.dev20260603
libtpu: 0.0.44.dev20260713+nightly
codegen_flags: <defaults>
</compile_context>

<pallas_src>
import jax
import jax.numpy as jnp
from jax import lax
from jax.experimental import pallas as pl
from jax.experimental.pallas import tpu as pltpu
from jax.experimental.pallas import tpu_sc as plsc

B = 16384
D = 32

_info = plsc.get_sparse_core_info()
NC = _info.num_cores
NS = _info.num_subcores
NW = NC * NS
B_PER_W = B // NW
CH = 32
NCHUNK = B_PER_W // CH


def _body(uid_hbm, mid_hbm, ut_hbm, mt_hbm, out_hbm,
          idxu_v, idxm_v, uwin_v, mwin_v, hb_v, outv_v, sem_u, sem_m):
    wid = lax.axis_index("s") * NC + lax.axis_index("c")
    base = wid * B_PER_W

    pltpu.sync_copy(uid_hbm.at[pl.ds(base, B_PER_W)], idxu_v)
    pltpu.sync_copy(mid_hbm.at[pl.ds(base, B_PER_W)], idxm_v)

    def chunk(h, _):
        hb = h * CH

        def fire(c, _):
            s = hb + c * 16
            vu = idxu_v[pl.ds(s, 16)]
            vm = idxm_v[pl.ds(s, 16)]
            for j in range(16):
                gu = pl.multiple_of((vu[j] >> 3) << 3, 8)
                gm = pl.multiple_of((vm[j] >> 3) << 3, 8)
                p = (c * 16 + j) * 8
                pltpu.async_copy(ut_hbm.at[pl.ds(gu, 8), :],
                                 uwin_v.at[pl.ds(p, 8), :], sem_u)
                pltpu.async_copy(mt_hbm.at[pl.ds(gm, 8), :],
                                 mwin_v.at[pl.ds(p, 8), :], sem_m)
            return 0

        lax.fori_loop(0, CH // 16, fire, 0)
        pltpu.make_async_copy(ut_hbm.at[pl.ds(0, CH * 8), :], uwin_v,
                              sem_u).wait()
        pltpu.make_async_copy(mt_hbm.at[pl.ds(0, CH * 8), :], mwin_v,
                              sem_m).wait()

        lanes16 = lax.iota(jnp.int32, 16) * 16

        def block(b, _):
            rbase = b * 16
            s = hb + rbase
            vu = idxu_v[pl.ds(s, 16)]
            vm = idxm_v[pl.ds(s, 16)]

            for r in range(16):
                pu = (rbase + r) * 8 + (vu[r] & 7)
                pm = (rbase + r) * 8 + (vm[r] & 7)
                p = (uwin_v[pu, pl.ds(0, 16)] * mwin_v[pm, pl.ds(0, 16)]
                     + uwin_v[pu, pl.ds(16, 16)] * mwin_v[pm, pl.ds(16, 16)])
                hb_v[pl.ds(r * 16, 16)] = p

            def tsum(j, acc):
                return acc + plsc.load_gather(hb_v, [lanes16 + j])

            outv_v[pl.ds(s, 16)] = lax.fori_loop(
                0, 16, tsum, jnp.zeros((16,), jnp.float32))
            return 0

        lax.fori_loop(0, CH // 16, block, 0)
        return 0

    lax.fori_loop(0, NCHUNK, chunk, 0)
    pltpu.sync_copy(outv_v, out_hbm.at[pl.ds(base, B_PER_W)])


@jax.jit
def _run(user_ids, movie_ids, ut, mt):
    mesh = plsc.VectorSubcoreMesh(core_axis_name="c", subcore_axis_name="s")
    k = pl.kernel(
        _body,
        mesh=mesh,
        out_type=jax.ShapeDtypeStruct((B,), jnp.float32),
        scratch_types=[
            pltpu.VMEM((B_PER_W,), jnp.int32),
            pltpu.VMEM((B_PER_W,), jnp.int32),
            pltpu.VMEM((CH * 8, D), jnp.float32),
            pltpu.VMEM((CH * 8, D), jnp.float32),
            pltpu.VMEM((16 * 16,), jnp.float32),
            pltpu.VMEM((B_PER_W,), jnp.float32),
            pltpu.SemaphoreType.DMA,
            pltpu.SemaphoreType.DMA,
        ],
        compiler_params=pltpu.CompilerParams(
            needs_layout_passes=False, use_tc_tiling_on_sc=True),
    )
    return k(user_ids, movie_ids, ut, mt)


def kernel(user_ids, movie_ids, user_table, movie_table):
    return _run(user_ids, movie_ids, user_table, movie_table)

# --- scband reference (transcript-rebuilt; emitter-appended) ---
"""Pipeline reference for scband-recommender-system-83562883711687 (READ-ONLY COPY).

The authoritative reference and input builder live on the scoring server;
editing this copy changes nothing except your own understanding.
"""

import jax, jax.numpy as jnp
import numpy as np

NUM_USERS = 1000000
NUM_MOVIES = 100000
EMBED_DIM = 32
BATCH = 16384

def setup_inputs(seed: int = 0) -> dict:
    key = jax.random.key(seed)
    k1, k2, k3, k4 = jax.random.split(key, 4)
    user_ids = jax.random.randint(k1, (BATCH,), 0, NUM_USERS, dtype=jnp.int64 if jax.config.jax_enable_x64 else jnp.int32).astype(jnp.int32)
    movie_ids = jax.random.randint(k2, (BATCH,), 0, NUM_MOVIES).astype(jnp.int32)
    # Embedding tables sized vocab+1 (StringLookup reserves an OOV index, matching len(unique)+1 in the original)
    user_table = jax.random.normal(k3, (NUM_USERS + 1, EMBED_DIM), dtype=jnp.float32) * 0.05
    movie_table = jax.random.normal(k4, (NUM_MOVIES + 1, EMBED_DIM), dtype=jnp.float32) * 0.05
    return {"user_ids": user_ids, "movie_ids": movie_ids, "user_table": user_table, "movie_table": movie_table}

def reference(user_ids, movie_ids, user_table, movie_table):
    # user tower: StringLookup -> integer ids (precomputed here) -> Embedding gather
    user_emb = jnp.take(user_table, user_ids, axis=0)      # [B, D]
    # movie tower: same pattern
    movie_emb = jnp.take(movie_table, movie_ids, axis=0)   # [B, D]
    # two-tower affinity score (dot product), the standard head for this retrieval model
    scores = jnp.sum(user_emb * movie_emb, axis=-1)        # [B]
    return scores

if __name__ == "__main__":
    import jax
    _d = setup_inputs()
    print(jax.jit(kernel)(*tuple(_d.values())))

</pallas_src>

<mosaic_0001>
#map = affine_map<(d0, d1) -> (0)>
#map1 = affine_map<(d0, d1) -> (0, 0)>
module attributes {stable_mosaic.version = 14 : i64} {
  func.func @_body(%arg0: i32, %arg1: i32, %arg2: memref<16384xi32, #tpu.memory_space<hbm>>, %arg3: memref<16384xi32, #tpu.memory_space<hbm>>, %arg4: memref<1000001x32xf32, #tpu.memory_space<hbm>>, %arg5: memref<100001x32xf32, #tpu.memory_space<hbm>>, %arg6: memref<16384xf32, #tpu.memory_space<hbm>>, %arg7: memref<512xi32, #tpu.memory_space<vmem>>, %arg8: memref<512xi32, #tpu.memory_space<vmem>>, %arg9: memref<256x32xf32, #tpu.memory_space<vmem>>, %arg10: memref<256x32xf32, #tpu.memory_space<vmem>>, %arg11: memref<256xf32, #tpu.memory_space<vmem>>, %arg12: memref<512xf32, #tpu.memory_space<vmem>>, %arg13: memref<!tpu.dma_semaphore, #tpu.memory_space<semaphore_mem>>, %arg14: memref<!tpu.dma_semaphore, #tpu.memory_space<semaphore_mem>>) attributes {dimension_semantics = [#tpu.dimension_semantics<core_parallel>, #tpu.dimension_semantics<subcore_parallel>], iteration_bounds = array<i64: 2, 16>, scalar_prefetch = 0 : i64, scratch_operands = 8 : i64, tpu.core_type = #tpu.core_type<sc_vector_subcore>, window_params = [{transform_indices = #map}, {transform_indices = #map}, {transform_indices = #map1}, {transform_indices = #map1}, {transform_indices = #map}]} {
    %mul3A = arith.constant 2 : i32
    %mul3A_0 = arith.muli %arg1, %mul3A : i32
    %add3A = arith.addi %mul3A_0, %arg0 : i32
    %mul3A_1 = arith.constant 512 : i32
    %mul3A_2 = arith.muli %add3A, %mul3A_1 : i32
    "tpu.region"() ({
      %run_scoped3A = tpu.sem_alloc : memref<!tpu.dma_semaphore, #tpu.memory_space<semaphore_mem>>
      %dma_start3A = tpu.memref_slice %arg2[%mul3A_2] : memref<16384xi32, #tpu.memory_space<hbm>> -> memref<512xi32, #tpu.memory_space<hbm>>
      %dma_start3A_9 = tpu.memref_slice %arg2[%mul3A_2] : memref<16384xi32, #tpu.memory_space<hbm>> -> memref<512xi32, #tpu.memory_space<hbm>>
      tpu.enqueue_dma source(%dma_start3A_9 : memref<512xi32, #tpu.memory_space<hbm>>) target(%arg7 : memref<512xi32, #tpu.memory_space<vmem>>) target_semaphore(%run_scoped3A : memref<!tpu.dma_semaphore, #tpu.memory_space<semaphore_mem>>)
      %dma_wait3A = tpu.memref_slice %arg2[%mul3A_2] : memref<16384xi32, #tpu.memory_space<hbm>> -> memref<512xi32, #tpu.memory_space<hbm>>
      %dma_wait3A_10 = tpu.memref_slice %arg2[%mul3A_2] : memref<16384xi32, #tpu.memory_space<hbm>> -> memref<512xi32, #tpu.memory_space<hbm>>
      tpu.wait_dma2 semaphore(%run_scoped3A : memref<!tpu.dma_semaphore, #tpu.memory_space<semaphore_mem>>) src(%dma_wait3A_10 : memref<512xi32, #tpu.memory_space<hbm>>) dst(%arg7 : memref<512xi32, #tpu.memory_space<vmem>>)
      tpu.yield
    }) : () -> ()
    "tpu.region"() ({
      %run_scoped3A = tpu.sem_alloc : memref<!tpu.dma_semaphore, #tpu.memory_space<semaphore_mem>>
      %dma_start3A = tpu.memref_slice %arg3[%mul3A_2] : memref<16384xi32, #tpu.memory_space<hbm>> -> memref<512xi32, #tpu.memory_space<hbm>>
      %dma_start3A_9 = tpu.memref_slice %arg3[%mul3A_2] : memref<16384xi32, #tpu.memory_space<hbm>> -> memref<512xi32, #tpu.memory_space<hbm>>
      tpu.enqueue_dma source(%dma_start3A_9 : memref<512xi32, #tpu.memory_space<hbm>>) target(%arg8 : memref<512xi32, #tpu.memory_space<vmem>>) target_semaphore(%run_scoped3A : memref<!tpu.dma_semaphore, #tpu.memory_space<semaphore_mem>>)
      %dma_wait3A = tpu.memref_slice %arg3[%mul3A_2] : memref<16384xi32, #tpu.memory_space<hbm>> -> memref<512xi32, #tpu.memory_space<hbm>>
      %dma_wait3A_10 = tpu.memref_slice %arg3[%mul3A_2] : memref<16384xi32, #tpu.memory_space<hbm>> -> memref<512xi32, #tpu.memory_space<hbm>>
      tpu.wait_dma2 semaphore(%run_scoped3A : memref<!tpu.dma_semaphore, #tpu.memory_space<semaphore_mem>>) src(%dma_wait3A_10 : memref<512xi32, #tpu.memory_space<hbm>>) dst(%arg8 : memref<512xi32, #tpu.memory_space<vmem>>)
      tpu.yield
    }) : () -> ()
    %scan3A = arith.constant 0 : i32
    %scan3A_3 = arith.constant 0 : i32
    %scan3A_4 = arith.constant 16 : i32
    %scan3A_5 = arith.addi %scan3A_3, %scan3A_4 : i32
    %scan3A_6 = arith.constant 1 : i32
    %scan3A_7 = scf.for %scan3A_9 = %scan3A_3 to %scan3A_5 step %scan3A_6 iter_args(%scan3A_10 = %scan3A) -> (i32)  : i32 {
      %mul3A_11 = arith.constant 32 : i32
      %mul3A_12 = arith.muli %scan3A_9, %mul3A_11 : i32
      %scan3A_13 = arith.constant 0 : i32
      %scan3A_14 = arith.constant 0 : i32
      %scan3A_15 = arith.constant 2 : i32
      %scan3A_16 = arith.addi %scan3A_14, %scan3A_15 : i32
      %scan3A_17 = arith.constant 1 : i32
      %scan3A_18 = scf.for %scan3A_42 = %scan3A_14 to %scan3A_16 step %scan3A_17 iter_args(%scan3A_43 = %scan3A_13) -> (i32)  : i32 {
        %mul3A_44 = arith.constant 16 : i32
        %mul3A_45 = arith.muli %scan3A_42, %mul3A_44 : i32
        %add3A_46 = arith.addi %mul3A_12, %mul3A_45 : i32
        %get3A = arith.index_cast %add3A_46 : i32 to index
        %get3A_47 = tpu.vector_load %arg7[%get3A] {strides = array<i32>} : memref<512xi32, #tpu.memory_space<vmem>>, vector<16xi32>,
        %get3A_48 = arith.index_cast %add3A_46 : i32 to index
        %get3A_49 = tpu.vector_load %arg8[%get3A_48] {strides = array<i32>} : memref<512xi32, #tpu.memory_space<vmem>>, vector<16xi32>,
        %slice3A = vector.extract_strided_slice %get3A_47 {offsets = [0], sizes = [1], strides = [1]} : vector<16xi32> to vector<1xi32>
        %squeeze3A = vector.extract %slice3A[0] : i32 from vector<1xi32>
        %shift_right_arithmetic3A = arith.constant 3 : i32
        %shift_right_arithmetic3A_50 = arith.shrsi %squeeze3A, %shift_right_arithmetic3A : i32
        %shift_left3A = arith.constant 3 : i32
        %shift_left3A_51 = arith.shli %shift_right_arithmetic3A_50, %shift_left3A : i32
        %multiple_of3A = tpu.assume_multiple %shift_left3A_51, 8 : i32
        %slice3A_52 = vector.extract_strided_slice %get3A_49 {offsets = [0], sizes = [1], strides = [1]} : vector<16xi32> to vector<1xi32>
        %squeeze3A_53 = vector.extract %slice3A_52[0] : i32 from vector<1xi32>
        %shift_right_arithmetic3A_54 = arith.constant 3 : i32
        %shift_right_arithmetic3A_55 = arith.shrsi %squeeze3A_53, %shift_right_arithmetic3A_54 : i32
        %shift_left3A_56 = arith.constant 3 : i32
        %shift_left3A_57 = arith.shli %shift_right_arithmetic3A_55, %shift_left3A_56 : i32
        %multiple_of3A_58 = tpu.assume_multiple %shift_left3A_57, 8 : i32
        %mul3A_59 = arith.constant 16 : i32
        %mul3A_60 = arith.muli %scan3A_42, %mul3A_59 : i32
        %add3A_61 = arith.constant 0 : i32
        %add3A_62 = arith.addi %mul3A_60, %add3A_61 : i32
        %mul3A_63 = arith.constant 8 : i32
        %mul3A_64 = arith.muli %add3A_62, %mul3A_63 : i32
        %dma_start3A = arith.constant 0 : i32
        %dma_start3A_65 = tpu.memref_slice %arg9[%mul3A_64, %dma_start3A] : memref<256x32xf32, #tpu.memory_space<vmem>> -> memref<8x32xf32, #tpu.memory_space<vmem>>
        %dma_start3A_66 = arith.constant 0 : i32
        %dma_start3A_67 = tpu.memref_slice %arg4[%multiple_of3A, %dma_start3A_66] : memref<1000001x32xf32, #tpu.memory_space<hbm>> -> memref<8x32xf32, #tpu.memory_space<hbm>>
        %dma_start3A_68 = arith.constant 0 : i32
        %dma_start3A_69 = tpu.memref_slice %arg9[%mul3A_64, %dma_start3A_68] : memref<256x32xf32, #tpu.memory_space<vmem>> -> memref<8x32xf32, #tpu.memory_space<vmem>>
        %dma_start3A_70 = arith.constant 0 : i32
        %dma_start3A_71 = tpu.memref_slice %arg4[%multiple_of3A, %dma_start3A_70] : memref<1000001x32xf32, #tpu.memory_space<hbm>> -> memref<8x32xf32, #tpu.memory_space<hbm>>
        tpu.enqueue_dma source(%dma_start3A_71 : memref<8x32xf32, #tpu.memory_space<hbm>>) target(%dma_start3A_69 : memref<8x32xf32, #tpu.memory_space<vmem>>) target_semaphore(%arg13 : memref<!tpu.dma_semaphore, #tpu.memory_space<semaphore_mem>>)
        %dma_start3A_72 = arith.constant 0 : i32
        %dma_start3A_73 = tpu.memref_slice %arg10[%mul3A_64, %dma_start3A_72] : memref<256x32xf32, #tpu.memory_space<vmem>> -> memref<8x32xf32, #tpu.memory_space<vmem>>
        %dma_start3A_74 = arith.constant 0 : i32
        %dma_start3A_75 = tpu.memref_slice %arg5[%multiple_of3A_58, %dma_start3A_74] : memref<100001x32xf32, #tpu.memory_space<hbm>> -> memref<8x32xf32, #tpu.memory_space<hbm>>
        %dma_start3A_76 = arith.constant 0 : i32
        %dma_start3A_77 = tpu.memref_slice %arg10[%mul3A_64, %dma_start3A_76] : memref<256x32xf32, #tpu.memory_space<vmem>> -> memref<8x32xf32, #tpu.memory_space<vmem>>
        %dma_start3A_78 = arith.constant 0 : i32
        %dma_start3A_79 = tpu.memref_slice %arg5[%multiple_of3A_58, %dma_start3A_78] : memref<100001x32xf32, #tpu.memory_space<hbm>> -> memref<8x32xf32, #tpu.memory_space<hbm>>
        tpu.enqueue_dma source(%dma_start3A_79 : memref<8x32xf32, #tpu.memory_space<hbm>>) target(%dma_start3A_77 : memref<8x32xf32, #tpu.memory_space<vmem>>) target_semaphore(%arg14 : memref<!tpu.dma_semaphore, #tpu.memory_space<semaphore_mem>>)
        %slice3A_80 = vector.extract_strided_slice %get3A_47 {offsets = [1], sizes = [1], strides = [1]} : vector<16xi32> to vector<1xi32>
        %squeeze3A_81 = vector.extract %slice3A_80[0] : i32 from vector<1xi32>
        %shift_right_arithmetic3A_82 = arith.constant 3 : i32
        %shift_right_arithmetic3A_83 = arith.shrsi %squeeze3A_81, %shift_right_arithmetic3A_82 : i32
        %shift_left3A_84 = arith.constant 3 : i32
        %shift_left3A_85 = arith.shli %shift_right_arithmetic3A_83, %shift_left3A_84 : i32
        %multiple_of3A_86 = tpu.assume_multiple %shift_left3A_85, 8 : i32
        %slice3A_87 = vector.extract_strided_slice %get3A_49 {offsets = [1], sizes = [1], strides = [1]} : vector<16xi32> to vector<1xi32>
        %squeeze3A_88 = vector.extract %slice3A_87[0] : i32 from vector<1xi32>
        %shift_right_arithmetic3A_89 = arith.constant 3 : i32
        %shift_right_arithmetic3A_90 = arith.shrsi %squeeze3A_88, %shift_right_arithmetic3A_89 : i32
        %shift_left3A_91 = arith.constant 3 : i32
        %shift_left3A_92 = arith.shli %shift_right_arithmetic3A_90, %shift_left3A_91 : i32
        %multiple_of3A_93 = tpu.assume_multiple %shift_left3A_92, 8 : i32
        %mul3A_94 = arith.constant 16 : i32
        %mul3A_95 = arith.muli %scan3A_42, %mul3A_94 : i32
        %add3A_96 = arith.constant 1 : i32
        %add3A_97 = arith.addi %mul3A_95, %add3A_96 : i32
        %mul3A_98 = arith.constant 8 : i32
        %mul3A_99 = arith.muli %add3A_97, %mul3A_98 : i32
        %dma_start3A_100 = arith.constant 0 : i32
        %dma_start3A_101 = tpu.memref_slice %arg9[%mul3A_99, %dma_start3A_100] : memref<256x32xf32, #tpu.memory_space<vmem>> -> memref<8x32xf32, #tpu.memory_space<vmem>>
        %dma_start3A_102 = arith.constant 0 : i32
        %dma_start3A_103 = tpu.memref_slice %arg4[%multiple_of3A_86, %dma_start3A_102] : memref<1000001x32xf32, #tpu.memory_space<hbm>> -> memref<8x32xf32, #tpu.memory_space<hbm>>
        %dma_start3A_104 = arith.constant 0 : i32
        %dma_start3A_105 = tpu.memref_slice %arg9[%mul3A_99, %dma_start3A_104] : memref<256x32xf32, #tpu.memory_space<vmem>> -> memref<8x32xf32, #tpu.memory_space<vmem>>
        %dma_start3A_106 = arith.constant 0 : i32
        %dma_start3A_107 = tpu.memref_slice %arg4[%multiple_of3A_86, %dma_start3A_106] : memref<1000001x32xf32, #tpu.memory_space<hbm>> -> memref<8x32xf32, #tpu.memory_space<hbm>>
        tpu.enqueue_dma source(%dma_start3A_107 : memref<8x32xf32, #tpu.memory_space<hbm>>) target(%dma_start3A_105 : memref<8x32xf32, #tpu.memory_space<vmem>>) target_semaphore(%arg13 : memref<!tpu.dma_semaphore, #tpu.memory_space<semaphore_mem>>)
        %dma_start3A_108 = arith.constant 0 : i32
        %dma_start3A_109 = tpu.memref_slice %arg10[%mul3A_99, %dma_start3A_108] : memref<256x32xf32, #tpu.memory_space<vmem>> -> memref<8x32xf32, #tpu.memory_space<vmem>>
        %dma_start3A_110 = arith.constant 0 : i32
        %dma_start3A_111 = tpu.memref_slice %arg5[%multiple_of3A_93, %dma_start3A_110] : memref<100001x32xf32, #tpu.memory_space<hbm>> -> memref<8x32xf32, #tpu.memory_space<hbm>>
        %dma_start3A_112 = arith.constant 0 : i32
        %dma_start3A_113 = tpu.memref_slice %arg10[%mul3A_99, %dma_start3A_112] : memref<256x32xf32, #tpu.memory_space<vmem>> -> memref<8x32xf32, #tpu.memory_space<vmem>>
        %dma_start3A_114 = arith.constant 0 : i32
        %dma_start3A_115 = tpu.memref_slice %arg5[%multiple_of3A_93, %dma_start3A_114] : memref<100001x32xf32, #tpu.memory_space<hbm>> -> memref<8x32xf32, #tpu.memory_space<hbm>>
        tpu.enqueue_dma source(%dma_start3A_115 : memref<8x32xf32, #tpu.memory_space<hbm>>) target(%dma_start3A_113 : memref<8x32xf32, #tpu.memory_space<vmem>>) target_semaphore(%arg14 : memref<!tpu.dma_semaphore, #tpu.memory_space<semaphore_mem>>)
        %slice3A_116 = vector.extract_strided_slice %get3A_47 {offsets = [2], sizes = [1], strides = [1]} : vector<16xi32> to vector<1xi32>
        %squeeze3A_117 = vector.extract %slice3A_116[0] : i32 from vector<1xi32>
        %shift_right_arithmetic3A_118 = arith.constant 3 : i32
        %shift_right_arithmetic3A_119 = arith.shrsi %squeeze3A_117, %shift_right_arithmetic3A_118 : i32
        %shift_left3A_120 = arith.constant 3 : i32
        %shift_left3A_121 = arith.shli %shift_right_arithmetic3A_119, %shift_left3A_120 : i32
        %multiple_of3A_122 = tpu.assume_multiple %shift_left3A_121, 8 : i32
        %slice3A_123 = vector.extract_strided_slice %get3A_49 {offsets = [2], sizes = [1], strides = [1]} : vector<16xi32> to vector<1xi32>
        %squeeze3A_124 = vector.extract %slice3A_123[0] : i32 from vector<1xi32>
        %shift_right_arithmetic3A_125 = arith.constant 3 : i32
        %shift_right_arithmetic3A_126 = arith.shrsi %squeeze3A_124, %shift_right_arithmetic3A_125 : i32
        %shift_left3A_127 = arith.constant 3 : i32
        %shift_left3A_128 = arith.shli %shift_right_arithmetic3A_126, %shift_left3A_127 : i32
        %multiple_of3A_129 = tpu.assume_multiple %shift_left3A_128, 8 : i32
        %mul3A_130 = arith.constant 16 : i32
        %mul3A_131 = arith.muli %scan3A_42, %mul3A_130 : i32
        %add3A_132 = arith.constant 2 : i32
        %add3A_133 = arith.addi %mul3A_131, %add3A_132 : i32
        %mul3A_134 = arith.constant 8 : i32
        %mul3A_135 = arith.muli %add3A_133, %mul3A_134 : i32
        %dma_start3A_136 = arith.constant 0 : i32
        %dma_start3A_137 = tpu.memref_slice %arg9[%mul3A_135, %dma_start3A_136] : memref<256x32xf32, #tpu.memory_space<vmem>> -> memref<8x32xf32, #tpu.memory_space<vmem>>
        %dma_start3A_138 = arith.constant 0 : i32
        %dma_start3A_139 = tpu.memref_slice %arg4[%multiple_of3A_122, %dma_start3A_138] : memref<1000001x32xf32, #tpu.memory_space<hbm>> -> memref<8x32xf32, #tpu.memory_space<hbm>>
        %dma_start3A_140 = arith.constant 0 : i32
        %dma_start3A_141 = tpu.memref_slice %arg9[%mul3A_135, %dma_start3A_140] : memref<256x32xf32, #tpu.memory_space<vmem>> -> memref<8x32xf32, #tpu.memory_space<vmem>>
        %dma_start3A_142 = arith.constant 0 : i32
        %dma_start3A_143 = tpu.memref_slice %arg4[%multiple_of3A_122, %dma_start3A_142] : memref<1000001x32xf32, #tpu.memory_space<hbm>> -> memref<8x32xf32, #tpu.memory_space<hbm>>
        tpu.enqueue_dma source(%dma_start3A_143 : memref<8x32xf32, #tpu.memory_space<hbm>>) target(%dma_start3A_141 : memref<8x32xf32, #tpu.memory_space<vmem>>) target_semaphore(%arg13 : memref<!tpu.dma_semaphore, #tpu.memory_space<semaphore_mem>>)
        %dma_start3A_144 = arith.constant 0 : i32
        %dma_start3A_145 = tpu.memref_slice %arg10[%mul3A_135, %dma_start3A_144] : memref<256x32xf32, #tpu.memory_space<vmem>> -> memref<8x32xf32, #tpu.memory_space<vmem>>
        %dma_start3A_146 = arith.constant 0 : i32
        %dma_start3A_147 = tpu.memref_slice %arg5[%multiple_of3A_129, %dma_start3A_146] : memref<100001x32xf32, #tpu.memory_space<hbm>> -> memref<8x32xf32, #tpu.memory_space<hbm>>
        %dma_start3A_148 = arith.constant 0 : i32
        %dma_start3A_149 = tpu.memref_slice %arg10[%mul3A_135, %dma_start3A_148] : memref<256x32xf32, #tpu.memory_space<vmem>> -> memref<8x32xf32, #tpu.memory_space<vmem>>
        %dma_start3A_150 = arith.constant 0 : i32
        %dma_start3A_151 = tpu.memref_slice %arg5[%multiple_of3A_129, %dma_start3A_150] : memref<100001x32xf32, #tpu.memory_space<hbm>> -> memref<8x32xf32, #tpu.memory_space<hbm>>
        tpu.enqueue_dma source(%dma_start3A_151 : memref<8x32xf32, #tpu.memory_space<hbm>>) target(%dma_start3A_149 : memref<8x32xf32, #tpu.memory_space<vmem>>) target_semaphore(%arg14 : memref<!tpu.dma_semaphore, #tpu.memory_space<semaphore_mem>>)
        %slice3A_152 = vector.extract_strided_slice %get3A_47 {offsets = [3], sizes = [1], strides = [1]} : vector<16xi32> to vector<1xi32>
        %squeeze3A_153 = vector.extract %slice3A_152[0] : i32 from vector<1xi32>
        %shift_right_arithmetic3A_154 = arith.constant 3 : i32
        %shift_right_arithmetic3A_155 = arith.shrsi %squeeze3A_153, %shift_right_arithmetic3A_154 : i32
        %shift_left3A_156 = arith.constant 3 : i32
        %shift_left3A_157 = arith.shli %shift_right_arithmetic3A_155, %shift_left3A_156 : i32
        %multiple_of3A_158 = tpu.assume_multiple %shift_left3A_157, 8 : i32
        %slice3A_159 = vector.extract_strided_slice %get3A_49 {offsets = [3], sizes = [1], strides = [1]} : vector<16xi32> to vector<1xi32>
        %squeeze3A_160 = vector.extract %slice3A_159[0] : i32 from vector<1xi32>
        %shift_right_arithmetic3A_161 = arith.constant 3 : i32
        %shift_right_arithmetic3A_162 = arith.shrsi %squeeze3A_160, %shift_right_arithmetic3A_161 : i32
        %shift_left3A_163 = arith.constant 3 : i32
        %shift_left3A_164 = arith.shli %shift_right_arithmetic3A_162, %shift_left3A_163 : i32
        %multiple_of3A_165 = tpu.assume_multiple %shift_left3A_164, 8 : i32
        %mul3A_166 = arith.constant 16 : i32
        %mul3A_167 = arith.muli %scan3A_42, %mul3A_166 : i32
        %add3A_168 = arith.constant 3 : i32
        %add3A_169 = arith.addi %mul3A_167, %add3A_168 : i32
        %mul3A_170 = arith.constant 8 : i32
        %mul3A_171 = arith.muli %add3A_169, %mul3A_170 : i32
        %dma_start3A_172 = arith.constant 0 : i32
        %dma_start3A_173 = tpu.memref_slice %arg9[%mul3A_171, %dma_start3A_172] : memref<256x32xf32, #tpu.memory_space<vmem>> -> memref<8x32xf32, #tpu.memory_space<vmem>>
        %dma_start3A_174 = arith.constant 0 : i32
        %dma_start3A_175 = tpu.memref_slice %arg4[%multiple_of3A_158, %dma_start3A_174] : memref<1000001x32xf32, #tpu.memory_space<hbm>> -> memref<8x32xf32, #tpu.memory_space<hbm>>
        %dma_start3A_176 = arith.constant 0 : i32
        %dma_start3A_177 = tpu.memref_slice %arg9[%mul3A_171, %dma_start3A_176] : memref<256x32xf32, #tpu.memory_space<vmem>> -> memref<8x32xf32, #tpu.memory_space<vmem>>
        %dma_start3A_178 = arith.constant 0 : i32
        %dma_start3A_179 = tpu.memref_slice %arg4[%multiple_of3A_158, %dma_start3A_178] : memref<1000001x32xf32, #tpu.memory_space<hbm>> -> memref<8x32xf32, #tpu.memory_space<hbm>>
        tpu.enqueue_dma source(%dma_start3A_179 : memref<8x32xf32, #tpu.memory_space<hbm>>) target(%dma_start3A_177 : memref<8x32xf32, #tpu.memory_space<vmem>>) target_semaphore(%arg13 : memref<!tpu.dma_semaphore, #tpu.memory_space<semaphore_mem>>)
        %dma_start3A_180 = arith.constant 0 : i32
        %dma_start3A_181 = tpu.memref_slice %arg10[%mul3A_171, %dma_start3A_180] : memref<256x32xf32, #tpu.memory_space<vmem>> -> memref<8x32xf32, #tpu.memory_space<vmem>>
        %dma_start3A_182 = arith.constant 0 : i32
        %dma_start3A_183 = tpu.memref_slice %arg5[%multiple_of3A_165, %dma_start3A_182] : memref<100001x32xf32, #tpu.memory_space<hbm>> -> memref<8x32xf32, #tpu.memory_space<hbm>>
        %dma_start3A_184 = arith.constant 0 : i32
        %dma_start3A_185 = tpu.memref_slice %arg10[%mul3A_171, %dma_start3A_184] : memref<256x32xf32, #tpu.memory_space<vmem>> -> memref<8x32xf32, #tpu.memory_space<vmem>>
        %dma_start3A_186 = arith.constant 0 : i32
        %dma_start3A_187 = tpu.memref_slice %arg5[%multiple_of3A_165, %dma_start3A_186] : memref<100001x32xf32, #tpu.memory_space<hbm>> -> memref<8x32xf32, #tpu.memory_space<hbm>>
        tpu.enqueue_dma source(%dma_start3A_187 : memref<8x32xf32, #tpu.memory_space<hbm>>) target(%dma_start3A_185 : memref<8x32xf32, #tpu.memory_space<vmem>>) target_semaphore(%arg14 : memref<!tpu.dma_semaphore, #tpu.memory_space<semaphore_mem>>)
        %slice3A_188 = vector.extract_strided_slice %get3A_47 {offsets = [4], sizes = [1], strides = [1]} : vector<16xi32> to vector<1xi32>
        %squeeze3A_189 = vector.extract %slice3A_188[0] : i32 from vector<1xi32>
        %shift_right_arithmetic3A_190 = arith.constant 3 : i32
        %shift_right_arithmetic3A_191 = arith.shrsi %squeeze3A_189, %shift_right_arithmetic3A_190 : i32
        %shift_left3A_192 = arith.constant 3 : i32
        %shift_left3A_193 = arith.shli %shift_right_arithmetic3A_191, %shift_left3A_192 : i32
        %multiple_of3A_194 = tpu.assume_multiple %shift_left3A_193, 8 : i32
        %slice3A_195 = vector.extract_strided_slice %get3A_49 {offsets = [4], sizes = [1], strides = [1]} : vector<16xi32> to vector<1xi32>
        %squeeze3A_196 = vector.extract %slice3A_195[0] : i32 from vector<1xi32>
        %shift_right_arithmetic3A_197 = arith.constant 3 : i32
        %shift_right_arithmetic3A_198 = arith.shrsi %squeeze3A_196, %shift_right_arithmetic3A_197 : i32
        %shift_left3A_199 = arith.constant 3 : i32
        %shift_left3A_200 = arith.shli %shift_right_arithmetic3A_198, %shift_left3A_199 : i32
        %multiple_of3A_201 = tpu.assume_multiple %shift_left3A_200, 8 : i32
        %mul3A_202 = arith.constant 16 : i32
        %mul3A_203 = arith.muli %scan3A_42, %mul3A_202 : i32
        %add3A_204 = arith.constant 4 : i32
        %add3A_205 = arith.addi %mul3A_203, %add3A_204 : i32
        %mul3A_206 = arith.constant 8 : i32
        %mul3A_207 = arith.muli %add3A_205, %mul3A_206 : i32
        %dma_start3A_208 = arith.constant 0 : i32
        %dma_start3A_209 = tpu.memref_slice %arg9[%mul3A_207, %dma_start3A_208] : memref<256x32xf32, #tpu.memory_space<vmem>> -> memref<8x32xf32, #tpu.memory_space<vmem>>
        %dma_start3A_210 = arith.constant 0 : i32
        %dma_start3A_211 = tpu.memref_slice %arg4[%multiple_of3A_194, %dma_start3A_210] : memref<1000001x32xf32, #tpu.memory_space<hbm>> -> memref<8x32xf32, #tpu.memory_space<hbm>>
        %dma_start3A_212 = arith.constant 0 : i32
        %dma_start3A_213 = tpu.memref_slice %arg9[%mul3A_207, %dma_start3A_212] : memref<256x32xf32, #tpu.memory_space<vmem>> -> memref<8x32xf32, #tpu.memory_space<vmem>>
        %dma_start3A_214 = arith.constant 0 : i32
        %dma_start3A_215 = tpu.memref_slice %arg4[%multiple_of3A_194, %dma_start3A_214] : memref<1000001x32xf32, #tpu.memory_space<hbm>> -> memref<8x32xf32, #tpu.memory_space<hbm>>
        tpu.enqueue_dma source(%dma_start3A_215 : memref<8x32xf32, #tpu.memory_space<hbm>>) target(%dma_start3A_213 : memref<8x32xf32, #tpu.memory_space<vmem>>) target_semaphore(%arg13 : memref<!tpu.dma_semaphore, #tpu.memory_space<semaphore_mem>>)
        %dma_start3A_216 = arith.constant 0 : i32
        %dma_start3A_217 = tpu.memref_slice %arg10[%mul3A_207, %dma_start3A_216] : memref<256x32xf32, #tpu.memory_space<vmem>> -> memref<8x32xf32, #tpu.memory_space<vmem>>
        %dma_start3A_218 = arith.constant 0 : i32
        %dma_start3A_219 = tpu.memref_slice %arg5[%multiple_of3A_201, %dma_start3A_218] : memref<100001x32xf32, #tpu.memory_space<hbm>> -> memref<8x32xf32, #tpu.memory_space<hbm>>
        %dma_start3A_220 = arith.constant 0 : i32
        %dma_start3A_221 = tpu.memref_slice %arg10[%mul3A_207, %dma_start3A_220] : memref<256x32xf32, #tpu.memory_space<vmem>> -> memref<8x32xf32, #tpu.memory_space<vmem>>
        %dma_start3A_222 = arith.constant 0 : i32
        %dma_start3A_223 = tpu.memref_slice %arg5[%multiple_of3A_201, %dma_start3A_222] : memref<100001x32xf32, #tpu.memory_space<hbm>> -> memref<8x32xf32, #tpu.memory_space<hbm>>
        tpu.enqueue_dma source(%dma_start3A_223 : memref<8x32xf32, #tpu.memory_space<hbm>>) target(%dma_start3A_221 : memref<8x32xf32, #tpu.memory_space<vmem>>) target_semaphore(%arg14 : memref<!tpu.dma_semaphore, #tpu.memory_space<semaphore_mem>>)
        %slice3A_224 = vector.extract_strided_slice %get3A_47 {offsets = [5], sizes = [1], strides = [1]} : vector<16xi32> to vector<1xi32>
        %squeeze3A_225 = vector.extract %slice3A_224[0] : i32 from vector<1xi32>
        %shift_right_arithmetic3A_226 = arith.constant 3 : i32
        %shift_right_arithmetic3A_227 = arith.shrsi %squeeze3A_225, %shift_right_arithmetic3A_226 : i32
        %shift_left3A_228 = arith.constant 3 : i32
        %shift_left3A_229 = arith.shli %shift_right_arithmetic3A_227, %shift_left3A_228 : i32
        %multiple_of3A_230 = tpu.assume_multiple %shift_left3A_229, 8 : i32
        %slice3A_231 = vector.extract_strided_slice %get3A_49 {offsets = [5], sizes = [1], strides = [1]} : vector<16xi32> to vector<1xi32>
        %squeeze3A_232 = vector.extract %slice3A_231[0] : i32 from vector<1xi32>
        %shift_right_arithmetic3A_233 = arith.constant 3 : i32
        %shift_right_arithmetic3A_234 = arith.shrsi %squeeze3A_232, %shift_right_arithmetic3A_233 : i32
        %shift_left3A_235 = arith.constant 3 : i32
        %shift_left3A_236 = arith.shli %shift_right_arithmetic3A_234, %shift_left3A_235 : i32
        %multiple_of3A_237 = tpu.assume_multiple %shift_left3A_236, 8 : i32
        %mul3A_238 = arith.constant 16 : i32
        %mul3A_239 = arith.muli %scan3A_42, %mul3A_238 : i32
        %add3A_240 = arith.constant 5 : i32
        %add3A_241 = arith.addi %mul3A_239, %add3A_240 : i32
        %mul3A_242 = arith.constant 8 : i32
        %mul3A_243 = arith.muli %add3A_241, %mul3A_242 : i32
        %dma_start3A_244 = arith.constant 0 : i32
        %dma_start3A_245 = tpu.memref_slice %arg9[%mul3A_243, %dma_start3A_244] : memref<256x32xf32, #tpu.memory_space<vmem>> -> memref<8x32xf32, #tpu.memory_space<vmem>>
        %dma_start3A_246 = arith.constant 0 : i32
        %dma_start3A_247 = tpu.memref_slice %arg4[%multiple_of3A_230, %dma_start3A_246] : memref<1000001x32xf32, #tpu.memory_space<hbm>> -> memref<8x32xf32, #tpu.memory_space<hbm>>
        %dma_start3A_248 = arith.constant 0 : i32
        %dma_start3A_249 = tpu.memref_slice %arg9[%mul3A_243, %dma_start3A_248] : memref<256x32xf32, #tpu.memory_space<vmem>> -> memref<8x32xf32, #tpu.memory_space<vmem>>
        %dma_start3A_250 = arith.constant 0 : i32
        %dma_start3A_251 = tpu.memref_slice %arg4[%multiple_of3A_230, %dma_start3A_250] : memref<1000001x32xf32, #tpu.memory_space<hbm>> -> memref<8x32xf32, #tpu.memory_space<hbm>>
        tpu.enqueue_dma source(%dma_start3A_251 : memref<8x32xf32, #tpu.memory_space<hbm>>) target(%dma_start3A_249 : memref<8x32xf32, #tpu.memory_space<vmem>>) target_semaphore(%arg13 : memref<!tpu.dma_semaphore, #tpu.memory_space<semaphore_mem>>)
        %dma_start3A_252 = arith.constant 0 : i32
        %dma_start3A_253 = tpu.memref_slice %arg10[%mul3A_243, %dma_start3A_252] : memref<256x32xf32, #tpu.memory_space<vmem>> -> memref<8x32xf32, #tpu.memory_space<vmem>>
        %dma_start3A_254 = arith.constant 0 : i32
        %dma_start3A_255 = tpu.memref_slice %arg5[%multiple_of3A_237, %dma_start3A_254] : memref<100001x32xf32, #tpu.memory_space<hbm>> -> memref<8x32xf32, #tpu.memory_space<hbm>>
        %dma_start3A_256 = arith.constant 0 : i32
        %dma_start3A_257 = tpu.memref_slice %arg10[%mul3A_243, %dma_start3A_256] : memref<256x32xf32, #tpu.memory_space<vmem>> -> memref<8x32xf32, #tpu.memory_space<vmem>>
        %dma_start3A_258 = arith.constant 0 : i32
        %dma_start3A_259 = tpu.memref_slice %arg5[%multiple_of3A_237, %dma_start3A_258] : memref<100001x32xf32, #tpu.memory_space<hbm>> -> memref<8x32xf32, #tpu.memory_space<hbm>>
        tpu.enqueue_dma source(%dma_start3A_259 : memref<8x32xf32, #tpu.memory_space<hbm>>) target(%dma_start3A_257 : memref<8x32xf32, #tpu.memory_space<vmem>>) target_semaphore(%arg14 : memref<!tpu.dma_semaphore, #tpu.memory_space<semaphore_mem>>)
        %slice3A_260 = vector.extract_strided_slice %get3A_47 {offsets = [6], sizes = [1], strides = [1]} : vector<16xi32> to vector<1xi32>
        %squeeze3A_261 = vector.extract %slice3A_260[0] : i32 from vector<1xi32>
        %shift_right_arithmetic3A_262 = arith.constant 3 : i32
        %shift_right_arithmetic3A_263 = arith.shrsi %squeeze3A_261, %shift_right_arithmetic3A_262 : i32
        %shift_left3A_264 = arith.constant 3 : i32
        %shift_left3A_265 = arith.shli %shift_right_arithmetic3A_263, %shift_left3A_264 : i32
        %multiple_of3A_266 = tpu.assume_multiple %shift_left3A_265, 8 : i32
        %slice3A_267 = vector.extract_strided_slice %get3A_49 {offsets = [6], sizes = [1], strides = [1]} : vector<16xi32> to vector<1xi32>
        %squeeze3A_268 = vector.extract %slice3A_267[0] : i32 from vector<1xi32>
        %shift_right_arithmetic3A_269 = arith.constant 3 : i32
        %shift_right_arithmetic3A_270 = arith.shrsi %squeeze3A_268, %shift_right_arithmetic3A_269 : i32
        %shift_left3A_271 = arith.constant 3 : i32
        %shift_left3A_272 = arith.shli %shift_right_arithmetic3A_270, %shift_left3A_271 : i32
        %multiple_of3A_273 = tpu.assume_multiple %shift_left3A_272, 8 : i32
        %mul3A_274 = arith.constant 16 : i32
        %mul3A_275 = arith.muli %scan3A_42, %mul3A_274 : i32
        %add3A_276 = arith.constant 6 : i32
        %add3A_277 = arith.addi %mul3A_275, %add3A_276 : i32
        %mul3A_278 = arith.constant 8 : i32
        %mul3A_279 = arith.muli %add3A_277, %mul3A_278 : i32
        %dma_start3A_280 = arith.constant 0 : i32
        %dma_start3A_281 = tpu.memref_slice %arg9[%mul3A_279, %dma_start3A_280] : memref<256x32xf32, #tpu.memory_space<vmem>> -> memref<8x32xf32, #tpu.memory_space<vmem>>
        %dma_start3A_282 = arith.constant 0 : i32
        %dma_start3A_283 = tpu.memref_slice %arg4[%multiple_of3A_266, %dma_start3A_282] : memref<1000001x32xf32, #tpu.memory_space<hbm>> -> memref<8x32xf32, #tpu.memory_space<hbm>>
        %dma_start3A_284 = arith.constant 0 : i32
        %dma_start3A_285 = tpu.memref_slice %arg9[%mul3A_279, %dma_start3A_284] : memref<256x32xf32, #tpu.memory_space<vmem>> -> memref<8x32xf32, #tpu.memory_space<vmem>>
        %dma_start3A_286 = arith.constant 0 : i32
        %dma_start3A_287 = tpu.memref_slice %arg4[%multiple_of3A_266, %dma_start3A_286] : memref<1000001x32xf32, #tpu.memory_space<hbm>> -> memref<8x32xf32, #tpu.memory_space<hbm>>
        tpu.enqueue_dma source(%dma_start3A_287 : memref<8x32xf32, #tpu.memory_space<hbm>>) target(%dma_start3A_285 : memref<8x32xf32, #tpu.memory_space<vmem>>) target_semaphore(%arg13 : memref<!tpu.dma_semaphore, #tpu.memory_space<semaphore_mem>>)
        %dma_start3A_288 = arith.constant 0 : i32
        %dma_start3A_289 = tpu.memref_slice %arg10[%mul3A_279, %dma_start3A_288] : memref<256x32xf32, #tpu.memory_space<vmem>> -> memref<8x32xf32, #tpu.memory_space<vmem>>
        %dma_start3A_290 = arith.constant 0 : i32
        %dma_start3A_291 = tpu.memref_slice %arg5[%multiple_of3A_273, %dma_start3A_290] : memref<100001x32xf32, #tpu.memory_space<hbm>> -> memref<8x32xf32, #tpu.memory_space<hbm>>
        %dma_start3A_292 = arith.constant 0 : i32
        %dma_start3A_293 = tpu.memref_slice %arg10[%mul3A_279, %dma_start3A_292] : memref<256x32xf32, #tpu.memory_space<vmem>> -> memref<8x32xf32, #tpu.memory_space<vmem>>
        %dma_start3A_294 = arith.constant 0 : i32
        %dma_start3A_295 = tpu.memref_slice %arg5[%multiple_of3A_273, %dma_start3A_294] : memref<100001x32xf32, #tpu.memory_space<hbm>> -> memref<8x32xf32, #tpu.memory_space<hbm>>
        tpu.enqueue_dma source(%dma_start3A_295 : memref<8x32xf32, #tpu.memory_space<hbm>>) target(%dma_start3A_293 : memref<8x32xf32, #tpu.memory_space<vmem>>) target_semaphore(%arg14 : memref<!tpu.dma_semaphore, #tpu.memory_space<semaphore_mem>>)
        %slice3A_296 = vector.extract_strided_slice %get3A_47 {offsets = [7], sizes = [1], strides = [1]} : vector<16xi32> to vector<1xi32>
        %squeeze3A_297 = vector.extract %slice3A_296[0] : i32 from vector<1xi32>
        %shift_right_arithmetic3A_298 = arith.constant 3 : i32
        %shift_right_arithmetic3A_299 = arith.shrsi %squeeze3A_297, %shift_right_arithmetic3A_298 : i32
        %shift_left3A_300 = arith.constant 3 : i32
        %shift_left3A_301 = arith.shli %shift_right_arithmetic3A_299, %shift_left3A_300 : i32
        %multiple_of3A_302 = tpu.assume_multiple %shift_left3A_301, 8 : i32
        %slice3A_303 = vector.extract_strided_slice %get3A_49 {offsets = [7], sizes = [1], strides = [1]} : vector<16xi32> to vector<1xi32>
        %squeeze3A_304 = vector.extract %slice3A_303[0] : i32 from vector<1xi32>
        %shift_right_arithmetic3A_305 = arith.constant 3 : i32
        %shift_right_arithmetic3A_306 = arith.shrsi %squeeze3A_304, %shift_right_arithmetic3A_305 : i32
        %shift_left3A_307 = arith.constant 3 : i32
        %shift_left3A_308 = arith.shli %shift_right_arithmetic3A_306, %shift_left3A_307 : i32
        %multiple_of3A_309 = tpu.assume_multiple %shift_left3A_308, 8 : i32
        %mul3A_310 = arith.constant 16 : i32
        %mul3A_311 = arith.muli %scan3A_42, %mul3A_310 : i32
        %add3A_312 = arith.constant 7 : i32
        %add3A_313 = arith.addi %mul3A_311, %add3A_312 : i32
        %mul3A_314 = arith.constant 8 : i32
        %mul3A_315 = arith.muli %add3A_313, %mul3A_314 : i32
        %dma_start3A_316 = arith.constant 0 : i32
        %dma_start3A_317 = tpu.memref_slice %arg9[%mul3A_315, %dma_start3A_316] : memref<256x32xf32, #tpu.memory_space<vmem>> -> memref<8x32xf32, #tpu.memory_space<vmem>>
        %dma_start3A_318 = arith.constant 0 : i32
        %dma_start3A_319 = tpu.memref_slice %arg4[%multiple_of3A_302, %dma_start3A_318] : memref<1000001x32xf32, #tpu.memory_space<hbm>> -> memref<8x32xf32, #tpu.memory_space<hbm>>
        %dma_start3A_320 = arith.constant 0 : i32
        %dma_start3A_321 = tpu.memref_slice %arg9[%mul3A_315, %dma_start3A_320] : memref<256x32xf32, #tpu.memory_space<vmem>> -> memref<8x32xf32, #tpu.memory_space<vmem>>
        %dma_start3A_322 = arith.constant 0 : i32
        %dma_start3A_323 = tpu.memref_slice %arg4[%multiple_of3A_302, %dma_start3A_322] : memref<1000001x32xf32, #tpu.memory_space<hbm>> -> memref<8x32xf32, #tpu.memory_space<hbm>>
        tpu.enqueue_dma source(%dma_start3A_323 : memref<8x32xf32, #tpu.memory_space<hbm>>) target(%dma_start3A_321 : memref<8x32xf32, #tpu.memory_space<vmem>>) target_semaphore(%arg13 : memref<!tpu.dma_semaphore, #tpu.memory_space<semaphore_mem>>)
        %dma_start3A_324 = arith.constant 0 : i32
        %dma_start3A_325 = tpu.memref_slice %arg10[%mul3A_315, %dma_start3A_324] : memref<256x32xf32, #tpu.memory_space<vmem>> -> memref<8x32xf32, #tpu.memory_space<vmem>>
        %dma_start3A_326 = arith.constant 0 : i32
        %dma_start3A_327 = tpu.memref_slice %arg5[%multiple_of3A_309, %dma_start3A_326] : memref<100001x32xf32, #tpu.memory_space<hbm>> -> memref<8x32xf32, #tpu.memory_space<hbm>>
        %dma_start3A_328 = arith.constant 0 : i32
        %dma_start3A_329 = tpu.memref_slice %arg10[%mul3A_315, %dma_start3A_328] : memref<256x32xf32, #tpu.memory_space<vmem>> -> memref<8x32xf32, #tpu.memory_space<vmem>>
        %dma_start3A_330 = arith.constant 0 : i32
        %dma_start3A_331 = tpu.memref_slice %arg5[%multiple_of3A_309, %dma_start3A_330] : memref<100001x32xf32, #tpu.memory_space<hbm>> -> memref<8x32xf32, #tpu.memory_space<hbm>>
        tpu.enqueue_dma source(%dma_start3A_331 : memref<8x32xf32, #tpu.memory_space<hbm>>) target(%dma_start3A_329 : memref<8x32xf32, #tpu.memory_space<vmem>>) target_semaphore(%arg14 : memref<!tpu.dma_semaphore, #tpu.memory_space<semaphore_mem>>)
        %slice3A_332 = vector.extract_strided_slice %get3A_47 {offsets = [8], sizes = [1], strides = [1]} : vector<16xi32> to vector<1xi32>
        %squeeze3A_333 = vector.extract %slice3A_332[0] : i32 from vector<1xi32>
        %shift_right_arithmetic3A_334 = arith.constant 3 : i32
        %shift_right_arithmetic3A_335 = arith.shrsi %squeeze3A_333, %shift_right_arithmetic3A_334 : i32
        %shift_left3A_336 = arith.constant 3 : i32
        %shift_left3A_337 = arith.shli %shift_right_arithmetic3A_335, %shift_left3A_336 : i32
        %multiple_of3A_338 = tpu.assume_multiple %shift_left3A_337, 8 : i32
        %slice3A_339 = vector.extract_strided_slice %get3A_49 {offsets = [8], sizes = [1], strides = [1]} : vector<16xi32> to vector<1xi32>
        %squeeze3A_340 = vector.extract %slice3A_339[0] : i32 from vector<1xi32>
        %shift_right_arithmetic3A_341 = arith.constant 3 : i32
        %shift_right_arithmetic3A_342 = arith.shrsi %squeeze3A_340, %shift_right_arithmetic3A_341 : i32
        %shift_left3A_343 = arith.constant 3 : i32
        %shift_left3A_344 = arith.shli %shift_right_arithmetic3A_342, %shift_left3A_343 : i32
        %multiple_of3A_345 = tpu.assume_multiple %shift_left3A_344, 8 : i32
        %mul3A_346 = arith.constant 16 : i32
        %mul3A_347 = arith.muli %scan3A_42, %mul3A_346 : i32
        %add3A_348 = arith.constant 8 : i32
        %add3A_349 = arith.addi %mul3A_347, %add3A_348 : i32
        %mul3A_350 = arith.constant 8 : i32
        %mul3A_351 = arith.muli %add3A_349, %mul3A_350 : i32
        %dma_start3A_352 = arith.constant 0 : i32
        %dma_start3A_353 = tpu.memref_slice %arg9[%mul3A_351, %dma_start3A_352] : memref<256x32xf32, #tpu.memory_space<vmem>> -> memref<8x32xf32, #tpu.memory_space<vmem>>
        %dma_start3A_354 = arith.constant 0 : i32
        %dma_start3A_355 = tpu.memref_slice %arg4[%multiple_of3A_338, %dma_start3A_354] : memref<1000001x32xf32, #tpu.memory_space<hbm>> -> memref<8x32xf32, #tpu.memory_space<hbm>>
        %dma_start3A_356 = arith.constant 0 : i32
        %dma_start3A_357 = tpu.memref_slice %arg9[%mul3A_351, %dma_start3A_356] : memref<256x32xf32, #tpu.memory_space<vmem>> -> memref<8x32xf32, #tpu.memory_space<vmem>>
        %dma_start3A_358 = arith.constant 0 : i32
        %dma_start3A_359 = tpu.memref_slice %arg4[%multiple_of3A_338, %dma_start3A_358] : memref<1000001x32xf32, #tpu.memory_space<hbm>> -> memref<8x32xf32, #tpu.memory_space<hbm>>
        tpu.enqueue_dma source(%dma_start3A_359 : memref<8x32xf32, #tpu.memory_space<hbm>>) target(%dma_start3A_357 : memref<8x32xf32, #tpu.memory_space<vmem>>) target_semaphore(%arg13 : memref<!tpu.dma_semaphore, #tpu.memory_space<semaphore_mem>>)
        %dma_start3A_360 = arith.constant 0 : i32
        %dma_start3A_361 = tpu.memref_slice %arg10[%mul3A_351, %dma_start3A_360] : memref<256x32xf32, #tpu.memory_space<vmem>> -> memref<8x32xf32, #tpu.memory_space<vmem>>
        %dma_start3A_362 = arith.constant 0 : i32
        %dma_start3A_363 = tpu.memref_slice %arg5[%multiple_of3A_345, %dma_start3A_362] : memref<100001x32xf32, #tpu.memory_space<hbm>> -> memref<8x32xf32, #tpu.memory_space<hbm>>
        %dma_start3A_364 = arith.constant 0 : i32
        %dma_start3A_365 = tpu.memref_slice %arg10[%mul3A_351, %dma_start3A_364] : memref<256x32xf32, #tpu.memory_space<vmem>> -> memref<8x32xf32, #tpu.memory_space<vmem>>
        %dma_start3A_366 = arith.constant 0 : i32
        %dma_start3A_367 = tpu.memref_slice %arg5[%multiple_of3A_345, %dma_start3A_366] : memref<100001x32xf32, #tpu.memory_space<hbm>> -> memref<8x32xf32, #tpu.memory_space<hbm>>
        tpu.enqueue_dma source(%dma_start3A_367 : memref<8x32xf32, #tpu.memory_space<hbm>>) target(%dma_start3A_365 : memref<8x32xf32, #tpu.memory_space<vmem>>) target_semaphore(%arg14 : memref<!tpu.dma_semaphore, #tpu.memory_space<semaphore_mem>>)
        %slice3A_368 = vector.extract_strided_slice %get3A_47 {offsets = [9], sizes = [1], strides = [1]} : vector<16xi32> to vector<1xi32>
        %squeeze3A_369 = vector.extract %slice3A_368[0] : i32 from vector<1xi32>
        %shift_right_arithmetic3A_370 = arith.constant 3 : i32
        %shift_right_arithmetic3A_371 = arith.shrsi %squeeze3A_369, %shift_right_arithmetic3A_370 : i32
        %shift_left3A_372 = arith.constant 3 : i32
        %shift_left3A_373 = arith.shli %shift_right_arithmetic3A_371, %shift_left3A_372 : i32
        %multiple_of3A_374 = tpu.assume_multiple %shift_left3A_373, 8 : i32
        %slice3A_375 = vector.extract_strided_slice %get3A_49 {offsets = [9], sizes = [1], strides = [1]} : vector<16xi32> to vector<1xi32>
        %squeeze3A_376 = vector.extract %slice3A_375[0] : i32 from vector<1xi32>
        %shift_right_arithmetic3A_377 = arith.constant 3 : i32
        %shift_right_arithmetic3A_378 = arith.shrsi %squeeze3A_376, %shift_right_arithmetic3A_377 : i32
        %shift_left3A_379 = arith.constant 3 : i32
        %shift_left3A_380 = arith.shli %shift_right_arithmetic3A_378, %shift_left3A_379 : i32
        %multiple_of3A_381 = tpu.assume_multiple %shift_left3A_380, 8 : i32
        %mul3A_382 = arith.constant 16 : i32
        %mul3A_383 = arith.muli %scan3A_42, %mul3A_382 : i32
        %add3A_384 = arith.constant 9 : i32
        %add3A_385 = arith.addi %mul3A_383, %add3A_384 : i32
        %mul3A_386 = arith.constant 8 : i32
        %mul3A_387 = arith.muli %add3A_385, %mul3A_386 : i32
        %dma_start3A_388 = arith.constant 0 : i32
        %dma_start3A_389 = tpu.memref_slice %arg9[%mul3A_387, %dma_start3A_388] : memref<256x32xf32, #tpu.memory_space<vmem>> -> memref<8x32xf32, #tpu.memory_space<vmem>>
        %dma_start3A_390 = arith.constant 0 : i32
        %dma_start3A_391 = tpu.memref_slice %arg4[%multiple_of3A_374, %dma_start3A_390] : memref<1000001x32xf32, #tpu.memory_space<hbm>> -> memref<8x32xf32, #tpu.memory_space<hbm>>
        %dma_start3A_392 = arith.constant 0 : i32
        %dma_start3A_393 = tpu.memref_slice %arg9[%mul3A_387, %dma_start3A_392] : memref<256x32xf32, #tpu.memory_space<vmem>> -> memref<8x32xf32, #tpu.memory_space<vmem>>
        %dma_start3A_394 = arith.constant 0 : i32
        %dma_start3A_395 = tpu.memref_slice %arg4[%multiple_of3A_374, %dma_start3A_394] : memref<1000001x32xf32, #tpu.memory_space<hbm>> -> memref<8x32xf32, #tpu.memory_space<hbm>>
        tpu.enqueue_dma source(%dma_start3A_395 : memref<8x32xf32, #tpu.memory_space<hbm>>) target(%dma_start3A_393 : memref<8x32xf32, #tpu.memory_space<vmem>>) target_semaphore(%arg13 : memref<!tpu.dma_semaphore, #tpu.memory_space<semaphore_mem>>)
        %dma_start3A_396 = arith.constant 0 : i32
        %dma_start3A_397 = tpu.memref_slice %arg10[%mul3A_387, %dma_start3A_396] : memref<256x32xf32, #tpu.memory_space<vmem>> -> memref<8x32xf32, #tpu.memory_space<vmem>>
        %dma_start3A_398 = arith.constant 0 : i32
        %dma_start3A_399 = tpu.memref_slice %arg5[%multiple_of3A_381, %dma_start3A_398] : memref<100001x32xf32, #tpu.memory_space<hbm>> -> memref<8x32xf32, #tpu.memory_space<hbm>>
        %dma_start3A_400 = arith.constant 0 : i32
        %dma_start3A_401 = tpu.memref_slice %arg10[%mul3A_387, %dma_start3A_400] : memref<256x32xf32, #tpu.memory_space<vmem>> -> memref<8x32xf32, #tpu.memory_space<vmem>>
        %dma_start3A_402 = arith.constant 0 : i32
        %dma_start3A_403 = tpu.memref_slice %arg5[%multiple_of3A_381, %dma_start3A_402] : memref<100001x32xf32, #tpu.memory_space<hbm>> -> memref<8x32xf32, #tpu.memory_space<hbm>>
        tpu.enqueue_dma source(%dma_start3A_403 : memref<8x32xf32, #tpu.memory_space<hbm>>) target(%dma_start3A_401 : memref<8x32xf32, #tpu.memory_space<vmem>>) target_semaphore(%arg14 : memref<!tpu.dma_semaphore, #tpu.memory_space<semaphore_mem>>)
        %slice3A_404 = vector.extract_strided_slice %get3A_47 {offsets = [10], sizes = [1], strides = [1]} : vector<16xi32> to vector<1xi32>
        %squeeze3A_405 = vector.extract %slice3A_404[0] : i32 from vector<1xi32>
        %shift_right_arithmetic3A_406 = arith.constant 3 : i32
        %shift_right_arithmetic3A_407 = arith.shrsi %squeeze3A_405, %shift_right_arithmetic3A_406 : i32
        %shift_left3A_408 = arith.constant 3 : i32
        %shift_left3A_409 = arith.shli %shift_right_arithmetic3A_407, %shift_left3A_408 : i32
        %multiple_of3A_410 = tpu.assume_multiple %shift_left3A_409, 8 : i32
        %slice3A_411 = vector.extract_strided_slice %get3A_49 {offsets = [10], sizes = [1], strides = [1]} : vector<16xi32> to vector<1xi32>
        %squeeze3A_412 = vector.extract %slice3A_411[0] : i32 from vector<1xi32>
        %shift_right_arithmetic3A_413 = arith.constant 3 : i32
        %shift_right_arithmetic3A_414 = arith.shrsi %squeeze3A_412, %shift_right_arithmetic3A_413 : i32
        %shift_left3A_415 = arith.constant 3 : i32
        %shift_left3A_416 = arith.shli %shift_right_arithmetic3A_414, %shift_left3A_415 : i32
        %multiple_of3A_417 = tpu.assume_multiple %shift_left3A_416, 8 : i32
        %mul3A_418 = arith.constant 16 : i32
        %mul3A_419 = arith.muli %scan3A_42, %mul3A_418 : i32
        %add3A_420 = arith.constant 10 : i32
        %add3A_421 = arith.addi %mul3A_419, %add3A_420 : i32
        %mul3A_422 = arith.constant 8 : i32
        %mul3A_423 = arith.muli %add3A_421, %mul3A_422 : i32
        %dma_start3A_424 = arith.constant 0 : i32
        %dma_start3A_425 = tpu.memref_slice %arg9[%mul3A_423, %dma_start3A_424] : memref<256x32xf32, #tpu.memory_space<vmem>> -> memref<8x32xf32, #tpu.memory_space<vmem>>
        %dma_start3A_426 = arith.constant 0 : i32
        %dma_start3A_427 = tpu.memref_slice %arg4[%multiple_of3A_410, %dma_start3A_426] : memref<1000001x32xf32, #tpu.memory_space<hbm>> -> memref<8x32xf32, #tpu.memory_space<hbm>>
        %dma_start3A_428 = arith.constant 0 : i32
        %dma_start3A_429 = tpu.memref_slice %arg9[%mul3A_423, %dma_start3A_428] : memref<256x32xf32, #tpu.memory_space<vmem>> -> memref<8x32xf32, #tpu.memory_space<vmem>>
        %dma_start3A_430 = arith.constant 0 : i32
        %dma_start3A_431 = tpu.memref_slice %arg4[%multiple_of3A_410, %dma_start3A_430] : memref<1000001x32xf32, #tpu.memory_space<hbm>> -> memref<8x32xf32, #tpu.memory_space<hbm>>
        tpu.enqueue_dma source(%dma_start3A_431 : memref<8x32xf32, #tpu.memory_space<hbm>>) target(%dma_start3A_429 : memref<8x32xf32, #tpu.memory_space<vmem>>) target_semaphore(%arg13 : memref<!tpu.dma_semaphore, #tpu.memory_space<semaphore_mem>>)
        %dma_start3A_432 = arith.constant 0 : i32
        %dma_start3A_433 = tpu.memref_slice %arg10[%mul3A_423, %dma_start3A_432] : memref<256x32xf32, #tpu.memory_space<vmem>> -> memref<8x32xf32, #tpu.memory_space<vmem>>
        %dma_start3A_434 = arith.constant 0 : i32
        %dma_start3A_435 = tpu.memref_slice %arg5[%multiple_of3A_417, %dma_start3A_434] : memref<100001x32xf32, #tpu.memory_space<hbm>> -> memref<8x32xf32, #tpu.memory_space<hbm>>
        %dma_start3A_436 = arith.constant 0 : i32
        %dma_start3A_437 = tpu.memref_slice %arg10[%mul3A_423, %dma_start3A_436] : memref<256x32xf32, #tpu.memory_space<vmem>> -> memref<8x32xf32, #tpu.memory_space<vmem>>
        %dma_start3A_438 = arith.constant 0 : i32
        %dma_start3A_439 = tpu.memref_slice %arg5[%multiple_of3A_417, %dma_start3A_438] : memref<100001x32xf32, #tpu.memory_space<hbm>> -> memref<8x32xf32, #tpu.memory_space<hbm>>
        tpu.enqueue_dma source(%dma_start3A_439 : memref<8x32xf32, #tpu.memory_space<hbm>>) target(%dma_start3A_437 : memref<8x32xf32, #tpu.memory_space<vmem>>) target_semaphore(%arg14 : memref<!tpu.dma_semaphore, #tpu.memory_space<semaphore_mem>>)
        %slice3A_440 = vector.extract_strided_slice %get3A_47 {offsets = [11], sizes = [1], strides = [1]} : vector<16xi32> to vector<1xi32>
        %squeeze3A_441 = vector.extract %slice3A_440[0] : i32 from vector<1xi32>
        %shift_right_arithmetic3A_442 = arith.constant 3 : i32
        %shift_right_arithmetic3A_443 = arith.shrsi %squeeze3A_441, %shift_right_arithmetic3A_442 : i32
        %shift_left3A_444 = arith.constant 3 : i32
        %shift_left3A_445 = arith.shli %shift_right_arithmetic3A_443, %shift_left3A_444 : i32
        %multiple_of3A_446 = tpu.assume_multiple %shift_left3A_445, 8 : i32
        %slice3A_447 = vector.extract_strided_slice %get3A_49 {offsets = [11], sizes = [1], strides = [1]} : vector<16xi32> to vector<1xi32>
        %squeeze3A_448 = vector.extract %slice3A_447[0] : i32 from vector<1xi32>
        %shift_right_arithmetic3A_449 = arith.constant 3 : i32
        %shift_right_arithmetic3A_450 = arith.shrsi %squeeze3A_448, %shift_right_arithmetic3A_449 : i32
        %shift_left3A_451 = arith.constant 3 : i32
        %shift_left3A_452 = arith.shli %shift_right_arithmetic3A_450, %shift_left3A_451 : i32
        %multiple_of3A_453 = tpu.assume_multiple %shift_left3A_452, 8 : i32
        %mul3A_454 = arith.constant 16 : i32
        %mul3A_455 = arith.muli %scan3A_42, %mul3A_454 : i32
        %add3A_456 = arith.constant 11 : i32
        %add3A_457 = arith.addi %mul3A_455, %add3A_456 : i32
        %mul3A_458 = arith.constant 8 : i32
        %mul3A_459 = arith.muli %add3A_457, %mul3A_458 : i32
        %dma_start3A_460 = arith.constant 0 : i32
        %dma_start3A_461 = tpu.memref_slice %arg9[%mul3A_459, %dma_start3A_460] : memref<256x32xf32, #tpu.memory_space<vmem>> -> memref<8x32xf32, #tpu.memory_space<vmem>>
        %dma_start3A_462 = arith.constant 0 : i32
        %dma_start3A_463 = tpu.memref_slice %arg4[%multiple_of3A_446, %dma_start3A_462] : memref<1000001x32xf32, #tpu.memory_space<hbm>> -> memref<8x32xf32, #tpu.memory_space<hbm>>
        %dma_start3A_464 = arith.constant 0 : i32
        %dma_start3A_465 = tpu.memref_slice %arg9[%mul3A_459, %dma_start3A_464] : memref<256x32xf32, #tpu.memory_space<vmem>> -> memref<8x32xf32, #tpu.memory_space<vmem>>
        %dma_start3A_466 = arith.constant 0 : i32
        %dma_start3A_467 = tpu.memref_slice %arg4[%multiple_of3A_446, %dma_start3A_466] : memref<1000001x32xf32, #tpu.memory_space<hbm>> -> memref<8x32xf32, #tpu.memory_space<hbm>>
        tpu.enqueue_dma source(%dma_start3A_467 : memref<8x32xf32, #tpu.memory_space<hbm>>) target(%dma_start3A_465 : memref<8x32xf32, #tpu.memory_space<vmem>>) target_semaphore(%arg13 : memref<!tpu.dma_semaphore, #tpu.memory_space<semaphore_mem>>)
        %dma_start3A_468 = arith.constant 0 : i32
        %dma_start3A_469 = tpu.memref_slice %arg10[%mul3A_459, %dma_start3A_468] : memref<256x32xf32, #tpu.memory_space<vmem>> -> memref<8x32xf32, #tpu.memory_space<vmem>>
        %dma_start3A_470 = arith.constant 0 : i32
        %dma_start3A_471 = tpu.memref_slice %arg5[%multiple_of3A_453, %dma_start3A_470] : memref<100001x32xf32, #tpu.memory_space<hbm>> -> memref<8x32xf32, #tpu.memory_space<hbm>>
        %dma_start3A_472 = arith.constant 0 : i32
        %dma_start3A_473 = tpu.memref_slice %arg10[%mul3A_459, %dma_start3A_472] : memref<256x32xf32, #tpu.memory_space<vmem>> -> memref<8x32xf32, #tpu.memory_space<vmem>>
        %dma_start3A_474 = arith.constant 0 : i32
        %dma_start3A_475 = tpu.memref_slice %arg5[%multiple_of3A_453, %dma_start3A_474] : memref<100001x32xf32, #tpu.memory_space<hbm>> -> memref<8x32xf32, #tpu.memory_space<hbm>>
        tpu.enqueue_dma source(%dma_start3A_475 : memref<8x32xf32, #tpu.memory_space<hbm>>) target(%dma_start3A_473 : memref<8x32xf32, #tpu.memory_space<vmem>>) target_semaphore(%arg14 : memref<!tpu.dma_semaphore, #tpu.memory_space<semaphore_mem>>)
        %slice3A_476 = vector.extract_strided_slice %get3A_47 {offsets = [12], sizes = [1], strides = [1]} : vector<16xi32> to vector<1xi32>
        %squeeze3A_477 = vector.extract %slice3A_476[0] : i32 from vector<1xi32>
        %shift_right_arithmetic3A_478 = arith.constant 3 : i32
        %shift_right_arithmetic3A_479 = arith.shrsi %squeeze3A_477, %shift_right_arithmetic3A_478 : i32
        %shift_left3A_480 = arith.constant 3 : i32
        %shift_left3A_481 = arith.shli %shift_right_arithmetic3A_479, %shift_left3A_480 : i32
        %multiple_of3A_482 = tpu.assume_multiple %shift_left3A_481, 8 : i32
        %slice3A_483 = vector.extract_strided_slice %get3A_49 {offsets = [12], sizes = [1], strides = [1]} : vector<16xi32> to vector<1xi32>
        %squeeze3A_484 = vector.extract %slice3A_483[0] : i32 from vector<1xi32>
        %shift_right_arithmetic3A_485 = arith.constant 3 : i32
        %shift_right_arithmetic3A_486 = arith.shrsi %squeeze3A_484, %shift_right_arithmetic3A_485 : i32
        %shift_left3A_487 = arith.constant 3 : i32
        %shift_left3A_488 = arith.shli %shift_right_arithmetic3A_486, %shift_left3A_487 : i32
        %multiple_of3A_489 = tpu.assume_multiple %shift_left3A_488, 8 : i32
        %mul3A_490 = arith.constant 16 : i32
        %mul3A_491 = arith.muli %scan3A_42, %mul3A_490 : i32
        %add3A_492 = arith.constant 12 : i32
        %add3A_493 = arith.addi %mul3A_491, %add3A_492 : i32
        %mul3A_494 = arith.constant 8 : i32
        %mul3A_495 = arith.muli %add3A_493, %mul3A_494 : i32
        %dma_start3A_496 = arith.constant 0 : i32
        %dma_start3A_497 = tpu.memref_slice %arg9[%mul3A_495, %dma_start3A_496] : memref<256x32xf32, #tpu.memory_space<vmem>> -> memref<8x32xf32, #tpu.memory_space<vmem>>
        %dma_start3A_498 = arith.constant 0 : i32
        %dma_start3A_499 = tpu.memref_slice %arg4[%multiple_of3A_482, %dma_start3A_498] : memref<1000001x32xf32, #tpu.memory_space<hbm>> -> memref<8x32xf32, #tpu.memory_space<hbm>>
        %dma_start3A_500 = arith.constant 0 : i32
        %dma_start3A_501 = tpu.memref_slice %arg9[%mul3A_495, %dma_start3A_500] : memref<256x32xf32, #tpu.memory_space<vmem>> -> memref<8x32xf32, #tpu.memory_space<vmem>>
        %dma_start3A_502 = arith.constant 0 : i32
        %dma_start3A_503 = tpu.memref_slice %arg4[%multiple_of3A_482, %dma_start3A_502] : memref<1000001x32xf32, #tpu.memory_space<hbm>> -> memref<8x32xf32, #tpu.memory_space<hbm>>
        tpu.enqueue_dma source(%dma_start3A_503 : memref<8x32xf32, #tpu.memory_space<hbm>>) target(%dma_start3A_501 : memref<8x32xf32, #tpu.memory_space<vmem>>) target_semaphore(%arg13 : memref<!tpu.dma_semaphore, #tpu.memory_space<semaphore_mem>>)
        %dma_start3A_504 = arith.constant 0 : i32
        %dma_start3A_505 = tpu.memref_slice %arg10[%mul3A_495, %dma_start3A_504] : memref<256x32xf32, #tpu.memory_space<vmem>> -> memref<8x32xf32, #tpu.memory_space<vmem>>
        %dma_start3A_506 = arith.constant 0 : i32
        %dma_start3A_507 = tpu.memref_slice %arg5[%multiple_of3A_489, %dma_start3A_506] : memref<100001x32xf32, #tpu.memory_space<hbm>> -> memref<8x32xf32, #tpu.memory_space<hbm>>
        %dma_start3A_508 = arith.constant 0 : i32
        %dma_start3A_509 = tpu.memref_slice %arg10[%mul3A_495, %dma_start3A_508] : memref<256x32xf32, #tpu.memory_space<vmem>> -> memref<8x32xf32, #tpu.memory_space<vmem>>
        %dma_start3A_510 = arith.constant 0 : i32
        %dma_start3A_511 = tpu.memref_slice %arg5[%multiple_of3A_489, %dma_start3A_510] : memref<100001x32xf32, #tpu.memory_space<hbm>> -> memref<8x32xf32, #tpu.memory_space<hbm>>
        tpu.enqueue_dma source(%dma_start3A_511 : memref<8x32xf32, #tpu.memory_space<hbm>>) target(%dma_start3A_509 : memref<8x32xf32, #tpu.memory_space<vmem>>) target_semaphore(%arg14 : memref<!tpu.dma_semaphore, #tpu.memory_space<semaphore_mem>>)
        %slice3A_512 = vector.extract_strided_slice %get3A_47 {offsets = [13], sizes = [1], strides = [1]} : vector<16xi32> to vector<1xi32>
        %squeeze3A_513 = vector.extract %slice3A_512[0] : i32 from vector<1xi32>
        %shift_right_arithmetic3A_514 = arith.constant 3 : i32
        %shift_right_arithmetic3A_515 = arith.shrsi %squeeze3A_513, %shift_right_arithmetic3A_514 : i32
        %shift_left3A_516 = arith.constant 3 : i32
        %shift_left3A_517 = arith.shli %shift_right_arithmetic3A_515, %shift_left3A_516 : i32
        %multiple_of3A_518 = tpu.assume_multiple %shift_left3A_517, 8 : i32
        %slice3A_519 = vector.extract_strided_slice %get3A_49 {offsets = [13], sizes = [1], strides = [1]} : vector<16xi32> to vector<1xi32>
        %squeeze3A_520 = vector.extract %slice3A_519[0] : i32 from vector<1xi32>
        %shift_right_arithmetic3A_521 = arith.constant 3 : i32
        %shift_right_arithmetic3A_522 = arith.shrsi %squeeze3A_520, %shift_right_arithmetic3A_521 : i32
        %shift_left3A_523 = arith.constant 3 : i32
        %shift_left3A_524 = arith.shli %shift_right_arithmetic3A_522, %shift_left3A_523 : i32
        %multiple_of3A_525 = tpu.assume_multiple %shift_left3A_524, 8 : i32
        %mul3A_526 = arith.constant 16 : i32
        %mul3A_527 = arith.muli %scan3A_42, %mul3A_526 : i32
        %add3A_528 = arith.constant 13 : i32
        %add3A_529 = arith.addi %mul3A_527, %add3A_528 : i32
        %mul3A_530 = arith.constant 8 : i32
        %mul3A_531 = arith.muli %add3A_529, %mul3A_530 : i32
        %dma_start3A_532 = arith.constant 0 : i32
        %dma_start3A_533 = tpu.memref_slice %arg9[%mul3A_531, %dma_start3A_532] : memref<256x32xf32, #tpu.memory_space<vmem>> -> memref<8x32xf32, #tpu.memory_space<vmem>>
        %dma_start3A_534 = arith.constant 0 : i32
        %dma_start3A_535 = tpu.memref_slice %arg4[%multiple_of3A_518, %dma_start3A_534] : memref<1000001x32xf32, #tpu.memory_space<hbm>> -> memref<8x32xf32, #tpu.memory_space<hbm>>
        %dma_start3A_536 = arith.constant 0 : i32
        %dma_start3A_537 = tpu.memref_slice %arg9[%mul3A_531, %dma_start3A_536] : memref<256x32xf32, #tpu.memory_space<vmem>> -> memref<8x32xf32, #tpu.memory_space<vmem>>
        %dma_start3A_538 = arith.constant 0 : i32
        %dma_start3A_539 = tpu.memref_slice %arg4[%multiple_of3A_518, %dma_start3A_538] : memref<1000001x32xf32, #tpu.memory_space<hbm>> -> memref<8x32xf32, #tpu.memory_space<hbm>>
        tpu.enqueue_dma source(%dma_start3A_539 : memref<8x32xf32, #tpu.memory_space<hbm>>) target(%dma_start3A_537 : memref<8x32xf32, #tpu.memory_space<vmem>>) target_semaphore(%arg13 : memref<!tpu.dma_semaphore, #tpu.memory_space<semaphore_mem>>)
        %dma_start3A_540 = arith.constant 0 : i32
        %dma_start3A_541 = tpu.memref_slice %arg10[%mul3A_531, %dma_start3A_540] : memref<256x32xf32, #tpu.memory_space<vmem>> -> memref<8x32xf32, #tpu.memory_space<vmem>>
        %dma_start3A_542 = arith.constant 0 : i32
        %dma_start3A_543 = tpu.memref_slice %arg5[%multiple_of3A_525, %dma_start3A_542] : memref<100001x32xf32, #tpu.memory_space<hbm>> -> memref<8x32xf32, #tpu.memory_space<hbm>>
        %dma_start3A_544 = arith.constant 0 : i32
        %dma_start3A_545 = tpu.memref_slice %arg10[%mul3A_531, %dma_start3A_544] : memref<256x32xf32, #tpu.memory_space<vmem>> -> memref<8x32xf32, #tpu.memory_space<vmem>>
        %dma_start3A_546 = arith.constant 0 : i32
        %dma_start3A_547 = tpu.memref_slice %arg5[%multiple_of3A_525, %dma_start3A_546] : memref<100001x32xf32, #tpu.memory_space<hbm>> -> memref<8x32xf32, #tpu.memory_space<hbm>>
        tpu.enqueue_dma source(%dma_start3A_547 : memref<8x32xf32, #tpu.memory_space<hbm>>) target(%dma_start3A_545 : memref<8x32xf32, #tpu.memory_space<vmem>>) target_semaphore(%arg14 : memref<!tpu.dma_semaphore, #tpu.memory_space<semaphore_mem>>)
        %slice3A_548 = vector.extract_strided_slice %get3A_47 {offsets = [14], sizes = [1], strides = [1]} : vector<16xi32> to vector<1xi32>
        %squeeze3A_549 = vector.extract %slice3A_548[0] : i32 from vector<1xi32>
        %shift_right_arithmetic3A_550 = arith.constant 3 : i32
        %shift_right_arithmetic3A_551 = arith.shrsi %squeeze3A_549, %shift_right_arithmetic3A_550 : i32
        %shift_left3A_552 = arith.constant 3 : i32
        %shift_left3A_553 = arith.shli %shift_right_arithmetic3A_551, %shift_left3A_552 : i32
        %multiple_of3A_554 = tpu.assume_multiple %shift_left3A_553, 8 : i32
        %slice3A_555 = vector.extract_strided_slice %get3A_49 {offsets = [14], sizes = [1], strides = [1]} : vector<16xi32> to vector<1xi32>
        %squeeze3A_556 = vector.extract %slice3A_555[0] : i32 from vector<1xi32>
        %shift_right_arithmetic3A_557 = arith.constant 3 : i32
        %shift_right_arithmetic3A_558 = arith.shrsi %squeeze3A_556, %shift_right_arithmetic3A_557 : i32
        %shift_left3A_559 = arith.constant 3 : i32
        %shift_left3A_560 = arith.shli %shift_right_arithmetic3A_558, %shift_left3A_559 : i32
        %multiple_of3A_561 = tpu.assume_multiple %shift_left3A_560, 8 : i32
        %mul3A_562 = arith.constant 16 : i32
        %mul3A_563 = arith.muli %scan3A_42, %mul3A_562 : i32
        %add3A_564 = arith.constant 14 : i32
        %add3A_565 = arith.addi %mul3A_563, %add3A_564 : i32
        %mul3A_566 = arith.constant 8 : i32
        %mul3A_567 = arith.muli %add3A_565, %mul3A_566 : i32
        %dma_start3A_568 = arith.constant 0 : i32
        %dma_start3A_569 = tpu.memref_slice %arg9[%mul3A_567, %dma_start3A_568] : memref<256x32xf32, #tpu.memory_space<vmem>> -> memref<8x32xf32, #tpu.memory_space<vmem>>
        %dma_start3A_570 = arith.constant 0 : i32
        %dma_start3A_571 = tpu.memref_slice %arg4[%multiple_of3A_554, %dma_start3A_570] : memref<1000001x32xf32, #tpu.memory_space<hbm>> -> memref<8x32xf32, #tpu.memory_space<hbm>>
        %dma_start3A_572 = arith.constant 0 : i32
        %dma_start3A_573 = tpu.memref_slice %arg9[%mul3A_567, %dma_start3A_572] : memref<256x32xf32, #tpu.memory_space<vmem>> -> memref<8x32xf32, #tpu.memory_space<vmem>>
        %dma_start3A_574 = arith.constant 0 : i32
        %dma_start3A_575 = tpu.memref_slice %arg4[%multiple_of3A_554, %dma_start3A_574] : memref<1000001x32xf32, #tpu.memory_space<hbm>> -> memref<8x32xf32, #tpu.memory_space<hbm>>
        tpu.enqueue_dma source(%dma_start3A_575 : memref<8x32xf32, #tpu.memory_space<hbm>>) target(%dma_start3A_573 : memref<8x32xf32, #tpu.memory_space<vmem>>) target_semaphore(%arg13 : memref<!tpu.dma_semaphore, #tpu.memory_space<semaphore_mem>>)
        %dma_start3A_576 = arith.constant 0 : i32
        %dma_start3A_577 = tpu.memref_slice %arg10[%mul3A_567, %dma_start3A_576] : memref<256x32xf32, #tpu.memory_space<vmem>> -> memref<8x32xf32, #tpu.memory_space<vmem>>
        %dma_start3A_578 = arith.constant 0 : i32
        %dma_start3A_579 = tpu.memref_slice %arg5[%multiple_of3A_561, %dma_start3A_578] : memref<100001x32xf32, #tpu.memory_space<hbm>> -> memref<8x32xf32, #tpu.memory_space<hbm>>
        %dma_start3A_580 = arith.constant 0 : i32
        %dma_start3A_581 = tpu.memref_slice %arg10[%mul3A_567, %dma_start3A_580] : memref<256x32xf32, #tpu.memory_space<vmem>> -> memref<8x32xf32, #tpu.memory_space<vmem>>
        %dma_start3A_582 = arith.constant 0 : i32
        %dma_start3A_583 = tpu.memref_slice %arg5[%multiple_of3A_561, %dma_start3A_582] : memref<100001x32xf32, #tpu.memory_space<hbm>> -> memref<8x32xf32, #tpu.memory_space<hbm>>
        tpu.enqueue_dma source(%dma_start3A_583 : memref<8x32xf32, #tpu.memory_space<hbm>>) target(%dma_start3A_581 : memref<8x32xf32, #tpu.memory_space<vmem>>) target_semaphore(%arg14 : memref<!tpu.dma_semaphore, #tpu.memory_space<semaphore_mem>>)
        %slice3A_584 = vector.extract_strided_slice %get3A_47 {offsets = [15], sizes = [1], strides = [1]} : vector<16xi32> to vector<1xi32>
        %squeeze3A_585 = vector.extract %slice3A_584[0] : i32 from vector<1xi32>
        %shift_right_arithmetic3A_586 = arith.constant 3 : i32
        %shift_right_arithmetic3A_587 = arith.shrsi %squeeze3A_585, %shift_right_arithmetic3A_586 : i32
        %shift_left3A_588 = arith.constant 3 : i32
        %shift_left3A_589 = arith.shli %shift_right_arithmetic3A_587, %shift_left3A_588 : i32
        %multiple_of3A_590 = tpu.assume_multiple %shift_left3A_589, 8 : i32
        %slice3A_591 = vector.extract_strided_slice %get3A_49 {offsets = [15], sizes = [1], strides = [1]} : vector<16xi32> to vector<1xi32>
        %squeeze3A_592 = vector.extract %slice3A_591[0] : i32 from vector<1xi32>
        %shift_right_arithmetic3A_593 = arith.constant 3 : i32
        %shift_right_arithmetic3A_594 = arith.shrsi %squeeze3A_592, %shift_right_arithmetic3A_593 : i32
        %shift_left3A_595 = arith.constant 3 : i32
        %shift_left3A_596 = arith.shli %shift_right_arithmetic3A_594, %shift_left3A_595 : i32
        %multiple_of3A_597 = tpu.assume_multiple %shift_left3A_596, 8 : i32
        %mul3A_598 = arith.constant 16 : i32
        %mul3A_599 = arith.muli %scan3A_42, %mul3A_598 : i32
        %add3A_600 = arith.constant 15 : i32
        %add3A_601 = arith.addi %mul3A_599, %add3A_600 : i32
        %mul3A_602 = arith.constant 8 : i32
        %mul3A_603 = arith.muli %add3A_601, %mul3A_602 : i32
        %dma_start3A_604 = arith.constant 0 : i32
        %dma_start3A_605 = tpu.memref_slice %arg9[%mul3A_603, %dma_start3A_604] : memref<256x32xf32, #tpu.memory_space<vmem>> -> memref<8x32xf32, #tpu.memory_space<vmem>>
        %dma_start3A_606 = arith.constant 0 : i32
        %dma_start3A_607 = tpu.memref_slice %arg4[%multiple_of3A_590, %dma_start3A_606] : memref<1000001x32xf32, #tpu.memory_space<hbm>> -> memref<8x32xf32, #tpu.memory_space<hbm>>
        %dma_start3A_608 = arith.constant 0 : i32
        %dma_start3A_609 = tpu.memref_slice %arg9[%mul3A_603, %dma_start3A_608] : memref<256x32xf32, #tpu.memory_space<vmem>> -> memref<8x32xf32, #tpu.memory_space<vmem>>
        %dma_start3A_610 = arith.constant 0 : i32
        %dma_start3A_611 = tpu.memref_slice %arg4[%multiple_of3A_590, %dma_start3A_610] : memref<1000001x32xf32, #tpu.memory_space<hbm>> -> memref<8x32xf32, #tpu.memory_space<hbm>>
        tpu.enqueue_dma source(%dma_start3A_611 : memref<8x32xf32, #tpu.memory_space<hbm>>) target(%dma_start3A_609 : memref<8x32xf32, #tpu.memory_space<vmem>>) target_semaphore(%arg13 : memref<!tpu.dma_semaphore, #tpu.memory_space<semaphore_mem>>)
        %dma_start3A_612 = arith.constant 0 : i32
        %dma_start3A_613 = tpu.memref_slice %arg10[%mul3A_603, %dma_start3A_612] : memref<256x32xf32, #tpu.memory_space<vmem>> -> memref<8x32xf32, #tpu.memory_space<vmem>>
        %dma_start3A_614 = arith.constant 0 : i32
        %dma_start3A_615 = tpu.memref_slice %arg5[%multiple_of3A_597, %dma_start3A_614] : memref<100001x32xf32, #tpu.memory_space<hbm>> -> memref<8x32xf32, #tpu.memory_space<hbm>>
        %dma_start3A_616 = arith.constant 0 : i32
        %dma_start3A_617 = tpu.memref_slice %arg10[%mul3A_603, %dma_start3A_616] : memref<256x32xf32, #tpu.memory_space<vmem>> -> memref<8x32xf32, #tpu.memory_space<vmem>>
        %dma_start3A_618 = arith.constant 0 : i32
        %dma_start3A_619 = tpu.memref_slice %arg5[%multiple_of3A_597, %dma_start3A_618] : memref<100001x32xf32, #tpu.memory_space<hbm>> -> memref<8x32xf32, #tpu.memory_space<hbm>>
        tpu.enqueue_dma source(%dma_start3A_619 : memref<8x32xf32, #tpu.memory_space<hbm>>) target(%dma_start3A_617 : memref<8x32xf32, #tpu.memory_space<vmem>>) target_semaphore(%arg14 : memref<!tpu.dma_semaphore, #tpu.memory_space<semaphore_mem>>)
        %scan3A_620 = arith.constant 0 : i32
        scf.yield %scan3A_620 : i32
      }
      %scan3A_19 = arith.constant 2 : i32
      %dma_wait3A = arith.constant 0 : i32
      %dma_wait3A_20 = arith.constant 0 : i32
      %dma_wait3A_21 = tpu.memref_slice %arg4[%dma_wait3A, %dma_wait3A_20] : memref<1000001x32xf32, #tpu.memory_space<hbm>> -> memref<256x32xf32, #tpu.memory_space<hbm>>
      %dma_wait3A_22 = arith.constant 0 : i32
      %dma_wait3A_23 = arith.constant 0 : i32
      %dma_wait3A_24 = tpu.memref_slice %arg4[%dma_wait3A_22, %dma_wait3A_23] : memref<1000001x32xf32, #tpu.memory_space<hbm>> -> memref<256x32xf32, #tpu.memory_space<hbm>>
      tpu.wait_dma2 semaphore(%arg13 : memref<!tpu.dma_semaphore, #tpu.memory_space<semaphore_mem>>) src(%dma_wait3A_24 : memref<256x32xf32, #tpu.memory_space<hbm>>) dst(%arg9 : memref<256x32xf32, #tpu.memory_space<vmem>>)
      %dma_wait3A_25 = arith.constant 0 : i32
      %dma_wait3A_26 = arith.constant 0 : i32
      %dma_wait3A_27 = tpu.memref_slice %arg5[%dma_wait3A_25, %dma_wait3A_26] : memref<100001x32xf32, #tpu.memory_space<hbm>> -> memref<256x32xf32, #tpu.memory_space<hbm>>
      %dma_wait3A_28 = arith.constant 0 : i32
      %dma_wait3A_29 = arith.constant 0 : i32
      %dma_wait3A_30 = tpu.memref_slice %arg5[%dma_wait3A_28, %dma_wait3A_29] : memref<100001x32xf32, #tpu.memory_space<hbm>> -> memref<256x32xf32, #tpu.memory_space<hbm>>
      tpu.wait_dma2 semaphore(%arg14 : memref<!tpu.dma_semaphore, #tpu.memory_space<semaphore_mem>>) src(%dma_wait3A_30 : memref<256x32xf32, #tpu.memory_space<hbm>>) dst(%arg10 : memref<256x32xf32, #tpu.memory_space<vmem>>)
      %iota3A = tpu.iota {dimensions = array<i32: 0>} : vector<16xi32>
      %mul3A_31 = arith.constant 16 : i32
      %mul3A_32 = vector.broadcast %mul3A_31 : i32 to vector<16xi32>
      %mul3A_33 = arith.muli %iota3A, %mul3A_32 : vector<16xi32>
      %scan3A_34 = arith.constant 0 : i32
      %scan3A_35 = arith.constant 0 : i32
      %scan3A_36 = arith.constant 2 : i32
      %scan3A_37 = arith.addi %scan3A_35, %scan3A_36 : i32
      %scan3A_38 = arith.constant 1 : i32
      %scan3A_39 = scf.for %scan3A_42 = %scan3A_35 to %scan3A_37 step %scan3A_38 iter_args(%scan3A_43 = %scan3A_34) -> (i32)  : i32 {
        %mul3A_44 = arith.constant 16 : i32
        %mul3A_45 = arith.muli %scan3A_42, %mul3A_44 : i32
        %add3A_46 = arith.addi %mul3A_12, %mul3A_45 : i32
        %get3A = arith.index_cast %add3A_46 : i32 to index
        %get3A_47 = tpu.vector_load %arg7[%get3A] {strides = array<i32>} : memref<512xi32, #tpu.memory_space<vmem>>, vector<16xi32>,
        %get3A_48 = arith.index_cast %add3A_46 : i32 to index
        %get3A_49 = tpu.vector_load %arg8[%get3A_48] {strides = array<i32>} : memref<512xi32, #tpu.memory_space<vmem>>, vector<16xi32>,
        %add3A_50 = arith.constant 0 : i32
        %add3A_51 = arith.addi %mul3A_45, %add3A_50 : i32
        %mul3A_52 = arith.constant 8 : i32
        %mul3A_53 = arith.muli %add3A_51, %mul3A_52 : i32
        %slice3A = vector.extract_strided_slice %get3A_47 {offsets = [0], sizes = [1], strides = [1]} : vector<16xi32> to vector<1xi32>
        %squeeze3A = vector.extract %slice3A[0] : i32 from vector<1xi32>
        %and3A = arith.constant 7 : i32
        %and3A_54 = arith.andi %squeeze3A, %and3A : i32
        %add3A_55 = arith.addi %mul3A_53, %and3A_54 : i32
        %add3A_56 = arith.constant 0 : i32
        %add3A_57 = arith.addi %mul3A_45, %add3A_56 : i32
        %mul3A_58 = arith.constant 8 : i32
        %mul3A_59 = arith.muli %add3A_57, %mul3A_58 : i32
        %slice3A_60 = vector.extract_strided_slice %get3A_49 {offsets = [0], sizes = [1], strides = [1]} : vector<16xi32> to vector<1xi32>
        %squeeze3A_61 = vector.extract %slice3A_60[0] : i32 from vector<1xi32>
        %and3A_62 = arith.constant 7 : i32
        %and3A_63 = arith.andi %squeeze3A_61, %and3A_62 : i32
        %add3A_64 = arith.addi %mul3A_59, %and3A_63 : i32
        %get3A_65 = arith.index_cast %add3A_55 : i32 to index
        %get3A_66 = arith.constant 0 : index
        %get3A_67 = tpu.vector_load %arg9[%get3A_65, %get3A_66] {strides = array<i32>} : memref<256x32xf32, #tpu.memory_space<vmem>>, vector<16xf32>,
        %get3A_68 = arith.index_cast %add3A_64 : i32 to index
        %get3A_69 = arith.constant 0 : index
        %get3A_70 = tpu.vector_load %arg10[%get3A_68, %get3A_69] {strides = array<i32>} : memref<256x32xf32, #tpu.memory_space<vmem>>, vector<16xf32>,
        %mul3A_71 = arith.mulf %get3A_67, %get3A_70 : vector<16xf32>
        %get3A_72 = arith.index_cast %add3A_55 : i32 to index
        %get3A_73 = arith.constant 16 : index
        %get3A_74 = tpu.vector_load %arg9[%get3A_72, %get3A_73] {strides = array<i32>} : memref<256x32xf32, #tpu.memory_space<vmem>>, vector<16xf32>,
        %get3A_75 = arith.index_cast %add3A_64 : i32 to index
        %get3A_76 = arith.constant 16 : index
        %get3A_77 = tpu.vector_load %arg10[%get3A_75, %get3A_76] {strides = array<i32>} : memref<256x32xf32, #tpu.memory_space<vmem>>, vector<16xf32>,
        %mul3A_78 = arith.mulf %get3A_74, %get3A_77 : vector<16xf32>
        %add3A_79 = arith.addf %mul3A_71, %mul3A_78 : vector<16xf32>
        %swap3A = arith.constant 0 : index
        %swap3A_80 = tpu.vector_load %arg11[%swap3A] {strides = array<i32>} : memref<256xf32, #tpu.memory_space<vmem>>, vector<16xf32>,
        tpu.vector_store %arg11[%swap3A], %add3A_79 {strides = array<i32>} : memref<256xf32, #tpu.memory_space<vmem>>, vector<16xf32>,
        %add3A_81 = arith.constant 1 : i32
        %add3A_82 = arith.addi %mul3A_45, %add3A_81 : i32
        %mul3A_83 = arith.constant 8 : i32
        %mul3A_84 = arith.muli %add3A_82, %mul3A_83 : i32
        %slice3A_85 = vector.extract_strided_slice %get3A_47 {offsets = [1], sizes = [1], strides = [1]} : vector<16xi32> to vector<1xi32>
        %squeeze3A_86 = vector.extract %slice3A_85[0] : i32 from vector<1xi32>
        %and3A_87 = arith.constant 7 : i32
        %and3A_88 = arith.andi %squeeze3A_86, %and3A_87 : i32
        %add3A_89 = arith.addi %mul3A_84, %and3A_88 : i32
        %add3A_90 = arith.constant 1 : i32
        %add3A_91 = arith.addi %mul3A_45, %add3A_90 : i32
        %mul3A_92 = arith.constant 8 : i32
        %mul3A_93 = arith.muli %add3A_91, %mul3A_92 : i32
        %slice3A_94 = vector.extract_strided_slice %get3A_49 {offsets = [1], sizes = [1], strides = [1]} : vector<16xi32> to vector<1xi32>
        %squeeze3A_95 = vector.extract %slice3A_94[0] : i32 from vector<1xi32>
        %and3A_96 = arith.constant 7 : i32
        %and3A_97 = arith.andi %squeeze3A_95, %and3A_96 : i32
        %add3A_98 = arith.addi %mul3A_93, %and3A_97 : i32
        %get3A_99 = arith.index_cast %add3A_89 : i32 to index
        %get3A_100 = arith.constant 0 : index
        %get3A_101 = tpu.vector_load %arg9[%get3A_99, %get3A_100] {strides = array<i32>} : memref<256x32xf32, #tpu.memory_space<vmem>>, vector<16xf32>,
        %get3A_102 = arith.index_cast %add3A_98 : i32 to index
        %get3A_103 = arith.constant 0 : index
        %get3A_104 = tpu.vector_load %arg10[%get3A_102, %get3A_103] {strides = array<i32>} : memref<256x32xf32, #tpu.memory_space<vmem>>, vector<16xf32>,
        %mul3A_105 = arith.mulf %get3A_101, %get3A_104 : vector<16xf32>
        %get3A_106 = arith.index_cast %add3A_89 : i32 to index
        %get3A_107 = arith.constant 16 : index
        %get3A_108 = tpu.vector_load %arg9[%get3A_106, %get3A_107] {strides = array<i32>} : memref<256x32xf32, #tpu.memory_space<vmem>>, vector<16xf32>,
        %get3A_109 = arith.index_cast %add3A_98 : i32 to index
        %get3A_110 = arith.constant 16 : index
        %get3A_111 = tpu.vector_load %arg10[%get3A_109, %get3A_110] {strides = array<i32>} : memref<256x32xf32, #tpu.memory_space<vmem>>, vector<16xf32>,
        %mul3A_112 = arith.mulf %get3A_108, %get3A_111 : vector<16xf32>
        %add3A_113 = arith.addf %mul3A_105, %mul3A_112 : vector<16xf32>
        %swap3A_114 = arith.constant 16 : index
        %swap3A_115 = tpu.vector_load %arg11[%swap3A_114] {strides = array<i32>} : memref<256xf32, #tpu.memory_space<vmem>>, vector<16xf32>,
        tpu.vector_store %arg11[%swap3A_114], %add3A_113 {strides = array<i32>} : memref<256xf32, #tpu.memory_space<vmem>>, vector<16xf32>,
        %add3A_116 = arith.constant 2 : i32
        %add3A_117 = arith.addi %mul3A_45, %add3A_116 : i32
        %mul3A_118 = arith.constant 8 : i32
        %mul3A_119 = arith.muli %add3A_117, %mul3A_118 : i32
        %slice3A_120 = vector.extract_strided_slice %get3A_47 {offsets = [2], sizes = [1], strides = [1]} : vector<16xi32> to vector<1xi32>
        %squeeze3A_121 = vector.extract %slice3A_120[0] : i32 from vector<1xi32>
        %and3A_122 = arith.constant 7 : i32
        %and3A_123 = arith.andi %squeeze3A_121, %and3A_122 : i32
        %add3A_124 = arith.addi %mul3A_119, %and3A_123 : i32
        %add3A_125 = arith.constant 2 : i32
        %add3A_126 = arith.addi %mul3A_45, %add3A_125 : i32
        %mul3A_127 = arith.constant 8 : i32
        %mul3A_128 = arith.muli %add3A_126, %mul3A_127 : i32
        %slice3A_129 = vector.extract_strided_slice %get3A_49 {offsets = [2], sizes = [1], strides = [1]} : vector<16xi32> to vector<1xi32>
        %squeeze3A_130 = vector.extract %slice3A_129[0] : i32 from vector<1xi32>
        %and3A_131 = arith.constant 7 : i32
        %and3A_132 = arith.andi %squeeze3A_130, %and3A_131 : i32
        %add3A_133 = arith.addi %mul3A_128, %and3A_132 : i32
        %get3A_134 = arith.index_cast %add3A_124 : i32 to index
        %get3A_135 = arith.constant 0 : index
        %get3A_136 = tpu.vector_load %arg9[%get3A_134, %get3A_135] {strides = array<i32>} : memref<256x32xf32, #tpu.memory_space<vmem>>, vector<16xf32>,
        %get3A_137 = arith.index_cast %add3A_133 : i32 to index
        %get3A_138 = arith.constant 0 : index
        %get3A_139 = tpu.vector_load %arg10[%get3A_137, %get3A_138] {strides = array<i32>} : memref<256x32xf32, #tpu.memory_space<vmem>>, vector<16xf32>,
        %mul3A_140 = arith.mulf %get3A_136, %get3A_139 : vector<16xf32>
        %get3A_141 = arith.index_cast %add3A_124 : i32 to index
        %get3A_142 = arith.constant 16 : index
        %get3A_143 = tpu.vector_load %arg9[%get3A_141, %get3A_142] {strides = array<i32>} : memref<256x32xf32, #tpu.memory_space<vmem>>, vector<16xf32>,
        %get3A_144 = arith.index_cast %add3A_133 : i32 to index
        %get3A_145 = arith.constant 16 : index
        %get3A_146 = tpu.vector_load %arg10[%get3A_144, %get3A_145] {strides = array<i32>} : memref<256x32xf32, #tpu.memory_space<vmem>>, vector<16xf32>,
        %mul3A_147 = arith.mulf %get3A_143, %get3A_146 : vector<16xf32>
        %add3A_148 = arith.addf %mul3A_140, %mul3A_147 : vector<16xf32>
        %swap3A_149 = arith.constant 32 : index
        %swap3A_150 = tpu.vector_load %arg11[%swap3A_149] {strides = array<i32>} : memref<256xf32, #tpu.memory_space<vmem>>, vector<16xf32>,
        tpu.vector_store %arg11[%swap3A_149], %add3A_148 {strides = array<i32>} : memref<256xf32, #tpu.memory_space<vmem>>, vector<16xf32>,
        %add3A_151 = arith.constant 3 : i32
        %add3A_152 = arith.addi %mul3A_45, %add3A_151 : i32
        %mul3A_153 = arith.constant 8 : i32
        %mul3A_154 = arith.muli %add3A_152, %mul3A_153 : i32
        %slice3A_155 = vector.extract_strided_slice %get3A_47 {offsets = [3], sizes = [1], strides = [1]} : vector<16xi32> to vector<1xi32>
        %squeeze3A_156 = vector.extract %slice3A_155[0] : i32 from vector<1xi32>
        %and3A_157 = arith.constant 7 : i32
        %and3A_158 = arith.andi %squeeze3A_156, %and3A_157 : i32
        %add3A_159 = arith.addi %mul3A_154, %and3A_158 : i32
        %add3A_160 = arith.constant 3 : i32
        %add3A_161 = arith.addi %mul3A_45, %add3A_160 : i32
        %mul3A_162 = arith.constant 8 : i32
        %mul3A_163 = arith.muli %add3A_161, %mul3A_162 : i32
        %slice3A_164 = vector.extract_strided_slice %get3A_49 {offsets = [3], sizes = [1], strides = [1]} : vector<16xi32> to vector<1xi32>
        %squeeze3A_165 = vector.extract %slice3A_164[0] : i32 from vector<1xi32>
        %and3A_166 = arith.constant 7 : i32
        %and3A_167 = arith.andi %squeeze3A_165, %and3A_166 : i32
        %add3A_168 = arith.addi %mul3A_163, %and3A_167 : i32
        %get3A_169 = arith.index_cast %add3A_159 : i32 to index
        %get3A_170 = arith.constant 0 : index
        %get3A_171 = tpu.vector_load %arg9[%get3A_169, %get3A_170] {strides = array<i32>} : memref<256x32xf32, #tpu.memory_space<vmem>>, vector<16xf32>,
        %get3A_172 = arith.index_cast %add3A_168 : i32 to index
        %get3A_173 = arith.constant 0 : index
        %get3A_174 = tpu.vector_load %arg10[%get3A_172, %get3A_173] {strides = array<i32>} : memref<256x32xf32, #tpu.memory_space<vmem>>, vector<16xf32>,
        %mul3A_175 = arith.mulf %get3A_171, %get3A_174 : vector<16xf32>
        %get3A_176 = arith.index_cast %add3A_159 : i32 to index
        %get3A_177 = arith.constant 16 : index
        %get3A_178 = tpu.vector_load %arg9[%get3A_176, %get3A_177] {strides = array<i32>} : memref<256x32xf32, #tpu.memory_space<vmem>>, vector<16xf32>,
        %get3A_179 = arith.index_cast %add3A_168 : i32 to index
        %get3A_180 = arith.constant 16 : index
        %get3A_181 = tpu.vector_load %arg10[%get3A_179, %get3A_180] {strides = array<i32>} : memref<256x32xf32, #tpu.memory_space<vmem>>, vector<16xf32>,
        %mul3A_182 = arith.mulf %get3A_178, %get3A_181 : vector<16xf32>
        %add3A_183 = arith.addf %mul3A_175, %mul3A_182 : vector<16xf32>
        %swap3A_184 = arith.constant 48 : index
        %swap3A_185 = tpu.vector_load %arg11[%swap3A_184] {strides = array<i32>} : memref<256xf32, #tpu.memory_space<vmem>>, vector<16xf32>,
        tpu.vector_store %arg11[%swap3A_184], %add3A_183 {strides = array<i32>} : memref<256xf32, #tpu.memory_space<vmem>>, vector<16xf32>,
        %add3A_186 = arith.constant 4 : i32
        %add3A_187 = arith.addi %mul3A_45, %add3A_186 : i32
        %mul3A_188 = arith.constant 8 : i32
        %mul3A_189 = arith.muli %add3A_187, %mul3A_188 : i32
        %slice3A_190 = vector.extract_strided_slice %get3A_47 {offsets = [4], sizes = [1], strides = [1]} : vector<16xi32> to vector<1xi32>
        %squeeze3A_191 = vector.extract %slice3A_190[0] : i32 from vector<1xi32>
        %and3A_192 = arith.constant 7 : i32
        %and3A_193 = arith.andi %squeeze3A_191, %and3A_192 : i32
        %add3A_194 = arith.addi %mul3A_189, %and3A_193 : i32
        %add3A_195 = arith.constant 4 : i32
        %add3A_196 = arith.addi %mul3A_45, %add3A_195 : i32
        %mul3A_197 = arith.constant 8 : i32
        %mul3A_198 = arith.muli %add3A_196, %mul3A_197 : i32
        %slice3A_199 = vector.extract_strided_slice %get3A_49 {offsets = [4], sizes = [1], strides = [1]} : vector<16xi32> to vector<1xi32>
        %squeeze3A_200 = vector.extract %slice3A_199[0] : i32 from vector<1xi32>
        %and3A_201 = arith.constant 7 : i32
        %and3A_202 = arith.andi %squeeze3A_200, %and3A_201 : i32
        %add3A_203 = arith.addi %mul3A_198, %and3A_202 : i32
        %get3A_204 = arith.index_cast %add3A_194 : i32 to index
        %get3A_205 = arith.constant 0 : index
        %get3A_206 = tpu.vector_load %arg9[%get3A_204, %get3A_205] {strides = array<i32>} : memref<256x32xf32, #tpu.memory_space<vmem>>, vector<16xf32>,
        %get3A_207 = arith.index_cast %add3A_203 : i32 to index
        %get3A_208 = arith.constant 0 : index
        %get3A_209 = tpu.vector_load %arg10[%get3A_207, %get3A_208] {strides = array<i32>} : memref<256x32xf32, #tpu.memory_space<vmem>>, vector<16xf32>,
        %mul3A_210 = arith.mulf %get3A_206, %get3A_209 : vector<16xf32>
        %get3A_211 = arith.index_cast %add3A_194 : i32 to index
        %get3A_212 = arith.constant 16 : index
        %get3A_213 = tpu.vector_load %arg9[%get3A_211, %get3A_212] {strides = array<i32>} : memref<256x32xf32, #tpu.memory_space<vmem>>, vector<16xf32>,
        %get3A_214 = arith.index_cast %add3A_203 : i32 to index
        %get3A_215 = arith.constant 16 : index
        %get3A_216 = tpu.vector_load %arg10[%get3A_214, %get3A_215] {strides = array<i32>} : memref<256x32xf32, #tpu.memory_space<vmem>>, vector<16xf32>,
        %mul3A_217 = arith.mulf %get3A_213, %get3A_216 : vector<16xf32>
        %add3A_218 = arith.addf %mul3A_210, %mul3A_217 : vector<16xf32>
        %swap3A_219 = arith.constant 64 : index
        %swap3A_220 = tpu.vector_load %arg11[%swap3A_219] {strides = array<i32>} : memref<256xf32, #tpu.memory_space<vmem>>, vector<16xf32>,
        tpu.vector_store %arg11[%swap3A_219], %add3A_218 {strides = array<i32>} : memref<256xf32, #tpu.memory_space<vmem>>, vector<16xf32>,
        %add3A_221 = arith.constant 5 : i32
        %add3A_222 = arith.addi %mul3A_45, %add3A_221 : i32
        %mul3A_223 = arith.constant 8 : i32
        %mul3A_224 = arith.muli %add3A_222, %mul3A_223 : i32
        %slice3A_225 = vector.extract_strided_slice %get3A_47 {offsets = [5], sizes = [1], strides = [1]} : vector<16xi32> to vector<1xi32>
        %squeeze3A_226 = vector.extract %slice3A_225[0] : i32 from vector<1xi32>
        %and3A_227 = arith.constant 7 : i32
        %and3A_228 = arith.andi %squeeze3A_226, %and3A_227 : i32
        %add3A_229 = arith.addi %mul3A_224, %and3A_228 : i32
        %add3A_230 = arith.constant 5 : i32
        %add3A_231 = arith.addi %mul3A_45, %add3A_230 : i32
        %mul3A_232 = arith.constant 8 : i32
        %mul3A_233 = arith.muli %add3A_231, %mul3A_232 : i32
        %slice3A_234 = vector.extract_strided_slice %get3A_49 {offsets = [5], sizes = [1], strides = [1]} : vector<16xi32> to vector<1xi32>
        %squeeze3A_235 = vector.extract %slice3A_234[0] : i32 from vector<1xi32>
        %and3A_236 = arith.constant 7 : i32
        %and3A_237 = arith.andi %squeeze3A_235, %and3A_236 : i32
        %add3A_238 = arith.addi %mul3A_233, %and3A_237 : i32
        %get3A_239 = arith.index_cast %add3A_229 : i32 to index
        %get3A_240 = arith.constant 0 : index
        %get3A_241 = tpu.vector_load %arg9[%get3A_239, %get3A_240] {strides = array<i32>} : memref<256x32xf32, #tpu.memory_space<vmem>>, vector<16xf32>,
        %get3A_242 = arith.index_cast %add3A_238 : i32 to index
        %get3A_243 = arith.constant 0 : index
        %get3A_244 = tpu.vector_load %arg10[%get3A_242, %get3A_243] {strides = array<i32>} : memref<256x32xf32, #tpu.memory_space<vmem>>, vector<16xf32>,
        %mul3A_245 = arith.mulf %get3A_241, %get3A_244 : vector<16xf32>
        %get3A_246 = arith.index_cast %add3A_229 : i32 to index
        %get3A_247 = arith.constant 16 : index
        %get3A_248 = tpu.vector_load %arg9[%get3A_246, %get3A_247] {strides = array<i32>} : memref<256x32xf32, #tpu.memory_space<vmem>>, vector<16xf32>,
        %get3A_249 = arith.index_cast %add3A_238 : i32 to index
        %get3A_250 = arith.constant 16 : index
        %get3A_251 = tpu.vector_load %arg10[%get3A_249, %get3A_250] {strides = array<i32>} : memref<256x32xf32, #tpu.memory_space<vmem>>, vector<16xf32>,
        %mul3A_252 = arith.mulf %get3A_248, %get3A_251 : vector<16xf32>
        %add3A_253 = arith.addf %mul3A_245, %mul3A_252 : vector<16xf32>
        %swap3A_254 = arith.constant 80 : index
        %swap3A_255 = tpu.vector_load %arg11[%swap3A_254] {strides = array<i32>} : memref<256xf32, #tpu.memory_space<vmem>>, vector<16xf32>,
        tpu.vector_store %arg11[%swap3A_254], %add3A_253 {strides = array<i32>} : memref<256xf32, #tpu.memory_space<vmem>>, vector<16xf32>,
        %add3A_256 = arith.constant 6 : i32
        %add3A_257 = arith.addi %mul3A_45, %add3A_256 : i32
        %mul3A_258 = arith.constant 8 : i32
        %mul3A_259 = arith.muli %add3A_257, %mul3A_258 : i32
        %slice3A_260 = vector.extract_strided_slice %get3A_47 {offsets = [6], sizes = [1], strides = [1]} : vector<16xi32> to vector<1xi32>
        %squeeze3A_261 = vector.extract %slice3A_260[0] : i32 from vector<1xi32>
        %and3A_262 = arith.constant 7 : i32
        %and3A_263 = arith.andi %squeeze3A_261, %and3A_262 : i32
        %add3A_264 = arith.addi %mul3A_259, %and3A_263 : i32
        %add3A_265 = arith.constant 6 : i32
        %add3A_266 = arith.addi %mul3A_45, %add3A_265 : i32
        %mul3A_267 = arith.constant 8 : i32
        %mul3A_268 = arith.muli %add3A_266, %mul3A_267 : i32
        %slice3A_269 = vector.extract_strided_slice %get3A_49 {offsets = [6], sizes = [1], strides = [1]} : vector<16xi32> to vector<1xi32>
        %squeeze3A_270 = vector.extract %slice3A_269[0] : i32 from vector<1xi32>
        %and3A_271 = arith.constant 7 : i32
        %and3A_272 = arith.andi %squeeze3A_270, %and3A_271 : i32
        %add3A_273 = arith.addi %mul3A_268, %and3A_272 : i32
        %get3A_274 = arith.index_cast %add3A_264 : i32 to index
        %get3A_275 = arith.constant 0 : index
        %get3A_276 = tpu.vector_load %arg9[%get3A_274, %get3A_275] {strides = array<i32>} : memref<256x32xf32, #tpu.memory_space<vmem>>, vector<16xf32>,
        %get3A_277 = arith.index_cast %add3A_273 : i32 to index
        %get3A_278 = arith.constant 0 : index
        %get3A_279 = tpu.vector_load %arg10[%get3A_277, %get3A_278] {strides = array<i32>} : memref<256x32xf32, #tpu.memory_space<vmem>>, vector<16xf32>,
        %mul3A_280 = arith.mulf %get3A_276, %get3A_279 : vector<16xf32>
        %get3A_281 = arith.index_cast %add3A_264 : i32 to index
        %get3A_282 = arith.constant 16 : index
        %get3A_283 = tpu.vector_load %arg9[%get3A_281, %get3A_282] {strides = array<i32>} : memref<256x32xf32, #tpu.memory_space<vmem>>, vector<16xf32>,
        %get3A_284 = arith.index_cast %add3A_273 : i32 to index
        %get3A_285 = arith.constant 16 : index
        %get3A_286 = tpu.vector_load %arg10[%get3A_284, %get3A_285] {strides = array<i32>} : memref<256x32xf32, #tpu.memory_space<vmem>>, vector<16xf32>,
        %mul3A_287 = arith.mulf %get3A_283, %get3A_286 : vector<16xf32>
        %add3A_288 = arith.addf %mul3A_280, %mul3A_287 : vector<16xf32>
        %swap3A_289 = arith.constant 96 : index
        %swap3A_290 = tpu.vector_load %arg11[%swap3A_289] {strides = array<i32>} : memref<256xf32, #tpu.memory_space<vmem>>, vector<16xf32>,
        tpu.vector_store %arg11[%swap3A_289], %add3A_288 {strides = array<i32>} : memref<256xf32, #tpu.memory_space<vmem>>, vector<16xf32>,
        %add3A_291 = arith.constant 7 : i32
        %add3A_292 = arith.addi %mul3A_45, %add3A_291 : i32
        %mul3A_293 = arith.constant 8 : i32
        %mul3A_294 = arith.muli %add3A_292, %mul3A_293 : i32
        %slice3A_295 = vector.extract_strided_slice %get3A_47 {offsets = [7], sizes = [1], strides = [1]} : vector<16xi32> to vector<1xi32>
        %squeeze3A_296 = vector.extract %slice3A_295[0] : i32 from vector<1xi32>
        %and3A_297 = arith.constant 7 : i32
        %and3A_298 = arith.andi %squeeze3A_296, %and3A_297 : i32
        %add3A_299 = arith.addi %mul3A_294, %and3A_298 : i32
        %add3A_300 = arith.constant 7 : i32
        %add3A_301 = arith.addi %mul3A_45, %add3A_300 : i32
        %mul3A_302 = arith.constant 8 : i32
        %mul3A_303 = arith.muli %add3A_301, %mul3A_302 : i32
        %slice3A_304 = vector.extract_strided_slice %get3A_49 {offsets = [7], sizes = [1], strides = [1]} : vector<16xi32> to vector<1xi32>
        %squeeze3A_305 = vector.extract %slice3A_304[0] : i32 from vector<1xi32>
        %and3A_306 = arith.constant 7 : i32
        %and3A_307 = arith.andi %squeeze3A_305, %and3A_306 : i32
        %add3A_308 = arith.addi %mul3A_303, %and3A_307 : i32
        %get3A_309 = arith.index_cast %add3A_299 : i32 to index
        %get3A_310 = arith.constant 0 : index
        %get3A_311 = tpu.vector_load %arg9[%get3A_309, %get3A_310] {strides = array<i32>} : memref<256x32xf32, #tpu.memory_space<vmem>>, vector<16xf32>,
        %get3A_312 = arith.index_cast %add3A_308 : i32 to index
        %get3A_313 = arith.constant 0 : index
        %get3A_314 = tpu.vector_load %arg10[%get3A_312, %get3A_313] {strides = array<i32>} : memref<256x32xf32, #tpu.memory_space<vmem>>, vector<16xf32>,
        %mul3A_315 = arith.mulf %get3A_311, %get3A_314 : vector<16xf32>
        %get3A_316 = arith.index_cast %add3A_299 : i32 to index
        %get3A_317 = arith.constant 16 : index
        %get3A_318 = tpu.vector_load %arg9[%get3A_316, %get3A_317] {strides = array<i32>} : memref<256x32xf32, #tpu.memory_space<vmem>>, vector<16xf32>,
        %get3A_319 = arith.index_cast %add3A_308 : i32 to index
        %get3A_320 = arith.constant 16 : index
        %get3A_321 = tpu.vector_load %arg10[%get3A_319, %get3A_320] {strides = array<i32>} : memref<256x32xf32, #tpu.memory_space<vmem>>, vector<16xf32>,
        %mul3A_322 = arith.mulf %get3A_318, %get3A_321 : vector<16xf32>
        %add3A_323 = arith.addf %mul3A_315, %mul3A_322 : vector<16xf32>
        %swap3A_324 = arith.constant 112 : index
        %swap3A_325 = tpu.vector_load %arg11[%swap3A_324] {strides = array<i32>} : memref<256xf32, #tpu.memory_space<vmem>>, vector<16xf32>,
        tpu.vector_store %arg11[%swap3A_324], %add3A_323 {strides = array<i32>} : memref<256xf32, #tpu.memory_space<vmem>>, vector<16xf32>,
        %add3A_326 = arith.constant 8 : i32
        %add3A_327 = arith.addi %mul3A_45, %add3A_326 : i32
        %mul3A_328 = arith.constant 8 : i32
        %mul3A_329 = arith.muli %add3A_327, %mul3A_328 : i32
        %slice3A_330 = vector.extract_strided_slice %get3A_47 {offsets = [8], sizes = [1], strides = [1]} : vector<16xi32> to vector<1xi32>
        %squeeze3A_331 = vector.extract %slice3A_330[0] : i32 from vector<1xi32>
        %and3A_332 = arith.constant 7 : i32
        %and3A_333 = arith.andi %squeeze3A_331, %and3A_332 : i32
        %add3A_334 = arith.addi %mul3A_329, %and3A_333 : i32
        %add3A_335 = arith.constant 8 : i32
        %add3A_336 = arith.addi %mul3A_45, %add3A_335 : i32
        %mul3A_337 = arith.constant 8 : i32
        %mul3A_338 = arith.muli %add3A_336, %mul3A_337 : i32
        %slice3A_339 = vector.extract_strided_slice %get3A_49 {offsets = [8], sizes = [1], strides = [1]} : vector<16xi32> to vector<1xi32>
        %squeeze3A_340 = vector.extract %slice3A_339[0] : i32 from vector<1xi32>
        %and3A_341 = arith.constant 7 : i32
        %and3A_342 = arith.andi %squeeze3A_340, %and3A_341 : i32
        %add3A_343 = arith.addi %mul3A_338, %and3A_342 : i32
        %get3A_344 = arith.index_cast %add3A_334 : i32 to index
        %get3A_345 = arith.constant 0 : index
        %get3A_346 = tpu.vector_load %arg9[%get3A_344, %get3A_345] {strides = array<i32>} : memref<256x32xf32, #tpu.memory_space<vmem>>, vector<16xf32>,
        %get3A_347 = arith.index_cast %add3A_343 : i32 to index
        %get3A_348 = arith.constant 0 : index
        %get3A_349 = tpu.vector_load %arg10[%get3A_347, %get3A_348] {strides = array<i32>} : memref<256x32xf32, #tpu.memory_space<vmem>>, vector<16xf32>,
        %mul3A_350 = arith.mulf %get3A_346, %get3A_349 : vector<16xf32>
        %get3A_351 = arith.index_cast %add3A_334 : i32 to index
        %get3A_352 = arith.constant 16 : index
        %get3A_353 = tpu.vector_load %arg9[%get3A_351, %get3A_352] {strides = array<i32>} : memref<256x32xf32, #tpu.memory_space<vmem>>, vector<16xf32>,
        %get3A_354 = arith.index_cast %add3A_343 : i32 to index
        %get3A_355 = arith.constant 16 : index
        %get3A_356 = tpu.vector_load %arg10[%get3A_354, %get3A_355] {strides = array<i32>} : memref<256x32xf32, #tpu.memory_space<vmem>>, vector<16xf32>,
        %mul3A_357 = arith.mulf %get3A_353, %get3A_356 : vector<16xf32>
        %add3A_358 = arith.addf %mul3A_350, %mul3A_357 : vector<16xf32>
        %swap3A_359 = arith.constant 128 : index
        %swap3A_360 = tpu.vector_load %arg11[%swap3A_359] {strides = array<i32>} : memref<256xf32, #tpu.memory_space<vmem>>, vector<16xf32>,
        tpu.vector_store %arg11[%swap3A_359], %add3A_358 {strides = array<i32>} : memref<256xf32, #tpu.memory_space<vmem>>, vector<16xf32>,
        %add3A_361 = arith.constant 9 : i32
        %add3A_362 = arith.addi %mul3A_45, %add3A_361 : i32
        %mul3A_363 = arith.constant 8 : i32
        %mul3A_364 = arith.muli %add3A_362, %mul3A_363 : i32
        %slice3A_365 = vector.extract_strided_slice %get3A_47 {offsets = [9], sizes = [1], strides = [1]} : vector<16xi32> to vector<1xi32>
        %squeeze3A_366 = vector.extract %slice3A_365[0] : i32 from vector<1xi32>
        %and3A_367 = arith.constant 7 : i32
        %and3A_368 = arith.andi %squeeze3A_366, %and3A_367 : i32
        %add3A_369 = arith.addi %mul3A_364, %and3A_368 : i32
        %add3A_370 = arith.constant 9 : i32
        %add3A_371 = arith.addi %mul3A_45, %add3A_370 : i32
        %mul3A_372 = arith.constant 8 : i32
        %mul3A_373 = arith.muli %add3A_371, %mul3A_372 : i32
        %slice3A_374 = vector.extract_strided_slice %get3A_49 {offsets = [9], sizes = [1], strides = [1]} : vector<16xi32> to vector<1xi32>
        %squeeze3A_375 = vector.extract %slice3A_374[0] : i32 from vector<1xi32>
        %and3A_376 = arith.constant 7 : i32
        %and3A_377 = arith.andi %squeeze3A_375, %and3A_376 : i32
        %add3A_378 = arith.addi %mul3A_373, %and3A_377 : i32
        %get3A_379 = arith.index_cast %add3A_369 : i32 to index
        %get3A_380 = arith.constant 0 : index
        %get3A_381 = tpu.vector_load %arg9[%get3A_379, %get3A_380] {strides = array<i32>} : memref<256x32xf32, #tpu.memory_space<vmem>>, vector<16xf32>,
        %get3A_382 = arith.index_cast %add3A_378 : i32 to index
        %get3A_383 = arith.constant 0 : index
        %get3A_384 = tpu.vector_load %arg10[%get3A_382, %get3A_383] {strides = array<i32>} : memref<256x32xf32, #tpu.memory_space<vmem>>, vector<16xf32>,
        %mul3A_385 = arith.mulf %get3A_381, %get3A_384 : vector<16xf32>
        %get3A_386 = arith.index_cast %add3A_369 : i32 to index
        %get3A_387 = arith.constant 16 : index
        %get3A_388 = tpu.vector_load %arg9[%get3A_386, %get3A_387] {strides = array<i32>} : memref<256x32xf32, #tpu.memory_space<vmem>>, vector<16xf32>,
        %get3A_389 = arith.index_cast %add3A_378 : i32 to index
        %get3A_390 = arith.constant 16 : index
        %get3A_391 = tpu.vector_load %arg10[%get3A_389, %get3A_390] {strides = array<i32>} : memref<256x32xf32, #tpu.memory_space<vmem>>, vector<16xf32>,
        %mul3A_392 = arith.mulf %get3A_388, %get3A_391 : vector<16xf32>
        %add3A_393 = arith.addf %mul3A_385, %mul3A_392 : vector<16xf32>
        %swap3A_394 = arith.constant 144 : index
        %swap3A_395 = tpu.vector_load %arg11[%swap3A_394] {strides = array<i32>} : memref<256xf32, #tpu.memory_space<vmem>>, vector<16xf32>,
        tpu.vector_store %arg11[%swap3A_394], %add3A_393 {strides = array<i32>} : memref<256xf32, #tpu.memory_space<vmem>>, vector<16xf32>,
        %add3A_396 = arith.constant 10 : i32
        %add3A_397 = arith.addi %mul3A_45, %add3A_396 : i32
        %mul3A_398 = arith.constant 8 : i32
        %mul3A_399 = arith.muli %add3A_397, %mul3A_398 : i32
        %slice3A_400 = vector.extract_strided_slice %get3A_47 {offsets = [10], sizes = [1], strides = [1]} : vector<16xi32> to vector<1xi32>
        %squeeze3A_401 = vector.extract %slice3A_400[0] : i32 from vector<1xi32>
        %and3A_402 = arith.constant 7 : i32
        %and3A_403 = arith.andi %squeeze3A_401, %and3A_402 : i32
        %add3A_404 = arith.addi %mul3A_399, %and3A_403 : i32
        %add3A_405 = arith.constant 10 : i32
        %add3A_406 = arith.addi %mul3A_45, %add3A_405 : i32
        %mul3A_407 = arith.constant 8 : i32
        %mul3A_408 = arith.muli %add3A_406, %mul3A_407 : i32
        %slice3A_409 = vector.extract_strided_slice %get3A_49 {offsets = [10], sizes = [1], strides = [1]} : vector<16xi32> to vector<1xi32>
        %squeeze3A_410 = vector.extract %slice3A_409[0] : i32 from vector<1xi32>
        %and3A_411 = arith.constant 7 : i32
        %and3A_412 = arith.andi %squeeze3A_410, %and3A_411 : i32
        %add3A_413 = arith.addi %mul3A_408, %and3A_412 : i32
        %get3A_414 = arith.index_cast %add3A_404 : i32 to index
        %get3A_415 = arith.constant 0 : index
        %get3A_416 = tpu.vector_load %arg9[%get3A_414, %get3A_415] {strides = array<i32>} : memref<256x32xf32, #tpu.memory_space<vmem>>, vector<16xf32>,
        %get3A_417 = arith.index_cast %add3A_413 : i32 to index
        %get3A_418 = arith.constant 0 : index
        %get3A_419 = tpu.vector_load %arg10[%get3A_417, %get3A_418] {strides = array<i32>} : memref<256x32xf32, #tpu.memory_space<vmem>>, vector<16xf32>,
        %mul3A_420 = arith.mulf %get3A_416, %get3A_419 : vector<16xf32>
        %get3A_421 = arith.index_cast %add3A_404 : i32 to index
        %get3A_422 = arith.constant 16 : index
        %get3A_423 = tpu.vector_load %arg9[%get3A_421, %get3A_422] {strides = array<i32>} : memref<256x32xf32, #tpu.memory_space<vmem>>, vector<16xf32>,
        %get3A_424 = arith.index_cast %add3A_413 : i32 to index
        %get3A_425 = arith.constant 16 : index
        %get3A_426 = tpu.vector_load %arg10[%get3A_424, %get3A_425] {strides = array<i32>} : memref<256x32xf32, #tpu.memory_space<vmem>>, vector<16xf32>,
        %mul3A_427 = arith.mulf %get3A_423, %get3A_426 : vector<16xf32>
        %add3A_428 = arith.addf %mul3A_420, %mul3A_427 : vector<16xf32>
        %swap3A_429 = arith.constant 160 : index
        %swap3A_430 = tpu.vector_load %arg11[%swap3A_429] {strides = array<i32>} : memref<256xf32, #tpu.memory_space<vmem>>, vector<16xf32>,
        tpu.vector_store %arg11[%swap3A_429], %add3A_428 {strides = array<i32>} : memref<256xf32, #tpu.memory_space<vmem>>, vector<16xf32>,
        %add3A_431 = arith.constant 11 : i32
        %add3A_432 = arith.addi %mul3A_45, %add3A_431 : i32
        %mul3A_433 = arith.constant 8 : i32
        %mul3A_434 = arith.muli %add3A_432, %mul3A_433 : i32
        %slice3A_435 = vector.extract_strided_slice %get3A_47 {offsets = [11], sizes = [1], strides = [1]} : vector<16xi32> to vector<1xi32>
        %squeeze3A_436 = vector.extract %slice3A_435[0] : i32 from vector<1xi32>
        %and3A_437 = arith.constant 7 : i32
        %and3A_438 = arith.andi %squeeze3A_436, %and3A_437 : i32
        %add3A_439 = arith.addi %mul3A_434, %and3A_438 : i32
        %add3A_440 = arith.constant 11 : i32
        %add3A_441 = arith.addi %mul3A_45, %add3A_440 : i32
        %mul3A_442 = arith.constant 8 : i32
        %mul3A_443 = arith.muli %add3A_441, %mul3A_442 : i32
        %slice3A_444 = vector.extract_strided_slice %get3A_49 {offsets = [11], sizes = [1], strides = [1]} : vector<16xi32> to vector<1xi32>
        %squeeze3A_445 = vector.extract %slice3A_444[0] : i32 from vector<1xi32>
        %and3A_446 = arith.constant 7 : i32
        %and3A_447 = arith.andi %squeeze3A_445, %and3A_446 : i32
        %add3A_448 = arith.addi %mul3A_443, %and3A_447 : i32
        %get3A_449 = arith.index_cast %add3A_439 : i32 to index
        %get3A_450 = arith.constant 0 : index
        %get3A_451 = tpu.vector_load %arg9[%get3A_449, %get3A_450] {strides = array<i32>} : memref<256x32xf32, #tpu.memory_space<vmem>>, vector<16xf32>,
        %get3A_452 = arith.index_cast %add3A_448 : i32 to index
        %get3A_453 = arith.constant 0 : index
        %get3A_454 = tpu.vector_load %arg10[%get3A_452, %get3A_453] {strides = array<i32>} : memref<256x32xf32, #tpu.memory_space<vmem>>, vector<16xf32>,
        %mul3A_455 = arith.mulf %get3A_451, %get3A_454 : vector<16xf32>
        %get3A_456 = arith.index_cast %add3A_439 : i32 to index
        %get3A_457 = arith.constant 16 : index
        %get3A_458 = tpu.vector_load %arg9[%get3A_456, %get3A_457] {strides = array<i32>} : memref<256x32xf32, #tpu.memory_space<vmem>>, vector<16xf32>,
        %get3A_459 = arith.index_cast %add3A_448 : i32 to index
        %get3A_460 = arith.constant 16 : index
        %get3A_461 = tpu.vector_load %arg10[%get3A_459, %get3A_460] {strides = array<i32>} : memref<256x32xf32, #tpu.memory_space<vmem>>, vector<16xf32>,
        %mul3A_462 = arith.mulf %get3A_458, %get3A_461 : vector<16xf32>
        %add3A_463 = arith.addf %mul3A_455, %mul3A_462 : vector<16xf32>
        %swap3A_464 = arith.constant 176 : index
        %swap3A_465 = tpu.vector_load %arg11[%swap3A_464] {strides = array<i32>} : memref<256xf32, #tpu.memory_space<vmem>>, vector<16xf32>,
        tpu.vector_store %arg11[%swap3A_464], %add3A_463 {strides = array<i32>} : memref<256xf32, #tpu.memory_space<vmem>>, vector<16xf32>,
        %add3A_466 = arith.constant 12 : i32
        %add3A_467 = arith.addi %mul3A_45, %add3A_466 : i32
        %mul3A_468 = arith.constant 8 : i32
        %mul3A_469 = arith.muli %add3A_467, %mul3A_468 : i32
        %slice3A_470 = vector.extract_strided_slice %get3A_47 {offsets = [12], sizes = [1], strides = [1]} : vector<16xi32> to vector<1xi32>
        %squeeze3A_471 = vector.extract %slice3A_470[0] : i32 from vector<1xi32>
        %and3A_472 = arith.constant 7 : i32
        %and3A_473 = arith.andi %squeeze3A_471, %and3A_472 : i32
        %add3A_474 = arith.addi %mul3A_469, %and3A_473 : i32
        %add3A_475 = arith.constant 12 : i32
        %add3A_476 = arith.addi %mul3A_45, %add3A_475 : i32
        %mul3A_477 = arith.constant 8 : i32
        %mul3A_478 = arith.muli %add3A_476, %mul3A_477 : i32
        %slice3A_479 = vector.extract_strided_slice %get3A_49 {offsets = [12], sizes = [1], strides = [1]} : vector<16xi32> to vector<1xi32>
        %squeeze3A_480 = vector.extract %slice3A_479[0] : i32 from vector<1xi32>
        %and3A_481 = arith.constant 7 : i32
        %and3A_482 = arith.andi %squeeze3A_480, %and3A_481 : i32
        %add3A_483 = arith.addi %mul3A_478, %and3A_482 : i32
        %get3A_484 = arith.index_cast %add3A_474 : i32 to index
        %get3A_485 = arith.constant 0 : index
        %get3A_486 = tpu.vector_load %arg9[%get3A_484, %get3A_485] {strides = array<i32>} : memref<256x32xf32, #tpu.memory_space<vmem>>, vector<16xf32>,
        %get3A_487 = arith.index_cast %add3A_483 : i32 to index
        %get3A_488 = arith.constant 0 : index
        %get3A_489 = tpu.vector_load %arg10[%get3A_487, %get3A_488] {strides = array<i32>} : memref<256x32xf32, #tpu.memory_space<vmem>>, vector<16xf32>,
        %mul3A_490 = arith.mulf %get3A_486, %get3A_489 : vector<16xf32>
        %get3A_491 = arith.index_cast %add3A_474 : i32 to index
        %get3A_492 = arith.constant 16 : index
        %get3A_493 = tpu.vector_load %arg9[%get3A_491, %get3A_492] {strides = array<i32>} : memref<256x32xf32, #tpu.memory_space<vmem>>, vector<16xf32>,
        %get3A_494 = arith.index_cast %add3A_483 : i32 to index
        %get3A_495 = arith.constant 16 : index
        %get3A_496 = tpu.vector_load %arg10[%get3A_494, %get3A_495] {strides = array<i32>} : memref<256x32xf32, #tpu.memory_space<vmem>>, vector<16xf32>,
        %mul3A_497 = arith.mulf %get3A_493, %get3A_496 : vector<16xf32>
        %add3A_498 = arith.addf %mul3A_490, %mul3A_497 : vector<16xf32>
        %swap3A_499 = arith.constant 192 : index
        %swap3A_500 = tpu.vector_load %arg11[%swap3A_499] {strides = array<i32>} : memref<256xf32, #tpu.memory_space<vmem>>, vector<16xf32>,
        tpu.vector_store %arg11[%swap3A_499], %add3A_498 {strides = array<i32>} : memref<256xf32, #tpu.memory_space<vmem>>, vector<16xf32>,
        %add3A_501 = arith.constant 13 : i32
        %add3A_502 = arith.addi %mul3A_45, %add3A_501 : i32
        %mul3A_503 = arith.constant 8 : i32
        %mul3A_504 = arith.muli %add3A_502, %mul3A_503 : i32
        %slice3A_505 = vector.extract_strided_slice %get3A_47 {offsets = [13], sizes = [1], strides = [1]} : vector<16xi32> to vector<1xi32>
        %squeeze3A_506 = vector.extract %slice3A_505[0] : i32 from vector<1xi32>
        %and3A_507 = arith.constant 7 : i32
        %and3A_508 = arith.andi %squeeze3A_506, %and3A_507 : i32
        %add3A_509 = arith.addi %mul3A_504, %and3A_508 : i32
        %add3A_510 = arith.constant 13 : i32
        %add3A_511 = arith.addi %mul3A_45, %add3A_510 : i32
        %mul3A_512 = arith.constant 8 : i32
        %mul3A_513 = arith.muli %add3A_511, %mul3A_512 : i32
        %slice3A_514 = vector.extract_strided_slice %get3A_49 {offsets = [13], sizes = [1], strides = [1]} : vector<16xi32> to vector<1xi32>
        %squeeze3A_515 = vector.extract %slice3A_514[0] : i32 from vector<1xi32>
        %and3A_516 = arith.constant 7 : i32
        %and3A_517 = arith.andi %squeeze3A_515, %and3A_516 : i32
        %add3A_518 = arith.addi %mul3A_513, %and3A_517 : i32
        %get3A_519 = arith.index_cast %add3A_509 : i32 to index
        %get3A_520 = arith.constant 0 : index
        %get3A_521 = tpu.vector_load %arg9[%get3A_519, %get3A_520] {strides = array<i32>} : memref<256x32xf32, #tpu.memory_space<vmem>>, vector<16xf32>,
        %get3A_522 = arith.index_cast %add3A_518 : i32 to index
        %get3A_523 = arith.constant 0 : index
        %get3A_524 = tpu.vector_load %arg10[%get3A_522, %get3A_523] {strides = array<i32>} : memref<256x32xf32, #tpu.memory_space<vmem>>, vector<16xf32>,
        %mul3A_525 = arith.mulf %get3A_521, %get3A_524 : vector<16xf32>
        %get3A_526 = arith.index_cast %add3A_509 : i32 to index
        %get3A_527 = arith.constant 16 : index
        %get3A_528 = tpu.vector_load %arg9[%get3A_526, %get3A_527] {strides = array<i32>} : memref<256x32xf32, #tpu.memory_space<vmem>>, vector<16xf32>,
        %get3A_529 = arith.index_cast %add3A_518 : i32 to index
        %get3A_530 = arith.constant 16 : index
        %get3A_531 = tpu.vector_load %arg10[%get3A_529, %get3A_530] {strides = array<i32>} : memref<256x32xf32, #tpu.memory_space<vmem>>, vector<16xf32>,
        %mul3A_532 = arith.mulf %get3A_528, %get3A_531 : vector<16xf32>
        %add3A_533 = arith.addf %mul3A_525, %mul3A_532 : vector<16xf32>
        %swap3A_534 = arith.constant 208 : index
        %swap3A_535 = tpu.vector_load %arg11[%swap3A_534] {strides = array<i32>} : memref<256xf32, #tpu.memory_space<vmem>>, vector<16xf32>,
        tpu.vector_store %arg11[%swap3A_534], %add3A_533 {strides = array<i32>} : memref<256xf32, #tpu.memory_space<vmem>>, vector<16xf32>,
        %add3A_536 = arith.constant 14 : i32
        %add3A_537 = arith.addi %mul3A_45, %add3A_536 : i32
        %mul3A_538 = arith.constant 8 : i32
        %mul3A_539 = arith.muli %add3A_537, %mul3A_538 : i32
        %slice3A_540 = vector.extract_strided_slice %get3A_47 {offsets = [14], sizes = [1], strides = [1]} : vector<16xi32> to vector<1xi32>
        %squeeze3A_541 = vector.extract %slice3A_540[0] : i32 from vector<1xi32>
        %and3A_542 = arith.constant 7 : i32
        %and3A_543 = arith.andi %squeeze3A_541, %and3A_542 : i32
        %add3A_544 = arith.addi %mul3A_539, %and3A_543 : i32
        %add3A_545 = arith.constant 14 : i32
        %add3A_546 = arith.addi %mul3A_45, %add3A_545 : i32
        %mul3A_547 = arith.constant 8 : i32
        %mul3A_548 = arith.muli %add3A_546, %mul3A_547 : i32
        %slice3A_549 = vector.extract_strided_slice %get3A_49 {offsets = [14], sizes = [1], strides = [1]} : vector<16xi32> to vector<1xi32>
        %squeeze3A_550 = vector.extract %slice3A_549[0] : i32 from vector<1xi32>
        %and3A_551 = arith.constant 7 : i32
        %and3A_552 = arith.andi %squeeze3A_550, %and3A_551 : i32
        %add3A_553 = arith.addi %mul3A_548, %and3A_552 : i32
        %get3A_554 = arith.index_cast %add3A_544 : i32 to index
        %get3A_555 = arith.constant 0 : index
        %get3A_556 = tpu.vector_load %arg9[%get3A_554, %get3A_555] {strides = array<i32>} : memref<256x32xf32, #tpu.memory_space<vmem>>, vector<16xf32>,
        %get3A_557 = arith.index_cast %add3A_553 : i32 to index
        %get3A_558 = arith.constant 0 : index
        %get3A_559 = tpu.vector_load %arg10[%get3A_557, %get3A_558] {strides = array<i32>} : memref<256x32xf32, #tpu.memory_space<vmem>>, vector<16xf32>,
        %mul3A_560 = arith.mulf %get3A_556, %get3A_559 : vector<16xf32>
        %get3A_561 = arith.index_cast %add3A_544 : i32 to index
        %get3A_562 = arith.constant 16 : index
        %get3A_563 = tpu.vector_load %arg9[%get3A_561, %get3A_562] {strides = array<i32>} : memref<256x32xf32, #tpu.memory_space<vmem>>, vector<16xf32>,
        %get3A_564 = arith.index_cast %add3A_553 : i32 to index
        %get3A_565 = arith.constant 16 : index
        %get3A_566 = tpu.vector_load %arg10[%get3A_564, %get3A_565] {strides = array<i32>} : memref<256x32xf32, #tpu.memory_space<vmem>>, vector<16xf32>,
        %mul3A_567 = arith.mulf %get3A_563, %get3A_566 : vector<16xf32>
        %add3A_568 = arith.addf %mul3A_560, %mul3A_567 : vector<16xf32>
        %swap3A_569 = arith.constant 224 : index
        %swap3A_570 = tpu.vector_load %arg11[%swap3A_569] {strides = array<i32>} : memref<256xf32, #tpu.memory_space<vmem>>, vector<16xf32>,
        tpu.vector_store %arg11[%swap3A_569], %add3A_568 {strides = array<i32>} : memref<256xf32, #tpu.memory_space<vmem>>, vector<16xf32>,
        %add3A_571 = arith.constant 15 : i32
        %add3A_572 = arith.addi %mul3A_45, %add3A_571 : i32
        %mul3A_573 = arith.constant 8 : i32
        %mul3A_574 = arith.muli %add3A_572, %mul3A_573 : i32
        %slice3A_575 = vector.extract_strided_slice %get3A_47 {offsets = [15], sizes = [1], strides = [1]} : vector<16xi32> to vector<1xi32>
        %squeeze3A_576 = vector.extract %slice3A_575[0] : i32 from vector<1xi32>
        %and3A_577 = arith.constant 7 : i32
        %and3A_578 = arith.andi %squeeze3A_576, %and3A_577 : i32
        %add3A_579 = arith.addi %mul3A_574, %and3A_578 : i32
        %add3A_580 = arith.constant 15 : i32
        %add3A_581 = arith.addi %mul3A_45, %add3A_580 : i32
        %mul3A_582 = arith.constant 8 : i32
        %mul3A_583 = arith.muli %add3A_581, %mul3A_582 : i32
        %slice3A_584 = vector.extract_strided_slice %get3A_49 {offsets = [15], sizes = [1], strides = [1]} : vector<16xi32> to vector<1xi32>
        %squeeze3A_585 = vector.extract %slice3A_584[0] : i32 from vector<1xi32>
        %and3A_586 = arith.constant 7 : i32
        %and3A_587 = arith.andi %squeeze3A_585, %and3A_586 : i32
        %add3A_588 = arith.addi %mul3A_583, %and3A_587 : i32
        %get3A_589 = arith.index_cast %add3A_579 : i32 to index
        %get3A_590 = arith.constant 0 : index
        %get3A_591 = tpu.vector_load %arg9[%get3A_589, %get3A_590] {strides = array<i32>} : memref<256x32xf32, #tpu.memory_space<vmem>>, vector<16xf32>,
        %get3A_592 = arith.index_cast %add3A_588 : i32 to index
        %get3A_593 = arith.constant 0 : index
        %get3A_594 = tpu.vector_load %arg10[%get3A_592, %get3A_593] {strides = array<i32>} : memref<256x32xf32, #tpu.memory_space<vmem>>, vector<16xf32>,
        %mul3A_595 = arith.mulf %get3A_591, %get3A_594 : vector<16xf32>
        %get3A_596 = arith.index_cast %add3A_579 : i32 to index
        %get3A_597 = arith.constant 16 : index
        %get3A_598 = tpu.vector_load %arg9[%get3A_596, %get3A_597] {strides = array<i32>} : memref<256x32xf32, #tpu.memory_space<vmem>>, vector<16xf32>,
        %get3A_599 = arith.index_cast %add3A_588 : i32 to index
        %get3A_600 = arith.constant 16 : index
        %get3A_601 = tpu.vector_load %arg10[%get3A_599, %get3A_600] {strides = array<i32>} : memref<256x32xf32, #tpu.memory_space<vmem>>, vector<16xf32>,
        %mul3A_602 = arith.mulf %get3A_598, %get3A_601 : vector<16xf32>
        %add3A_603 = arith.addf %mul3A_595, %mul3A_602 : vector<16xf32>
        %swap3A_604 = arith.constant 240 : index
        %swap3A_605 = tpu.vector_load %arg11[%swap3A_604] {strides = array<i32>} : memref<256xf32, #tpu.memory_space<vmem>>, vector<16xf32>,
        tpu.vector_store %arg11[%swap3A_604], %add3A_603 {strides = array<i32>} : memref<256xf32, #tpu.memory_space<vmem>>, vector<16xf32>,
        %broadcast_in_dim3A = arith.constant 0.000000e+00 : f32
        %broadcast_in_dim3A_606 = vector.broadcast %broadcast_in_dim3A : f32 to vector<16xf32>
        %scan3A_607 = arith.constant 0 : i32
        %scan3A_608 = arith.constant 16 : i32
        %scan3A_609 = arith.addi %scan3A_607, %scan3A_608 : i32
        %scan3A_610 = arith.constant 1 : i32
        %scan3A_611 = scf.for %scan3A_616 = %scan3A_607 to %scan3A_609 step %scan3A_610 iter_args(%scan3A_617 = %broadcast_in_dim3A_606) -> (vector<16xf32>)  : i32 {
          %add3A_618 = vector.broadcast %scan3A_616 : i32 to vector<16xi32>
          %add3A_619 = arith.addi %mul3A_33, %add3A_618 : vector<16xi32>
          %gather3A = tpu.vector_load_idx %arg11[%add3A_619] : memref<256xf32, #tpu.memory_space<vmem>>[vector<16xi32>], vector<16xf32>,
          %add3A_620 = arith.addf %scan3A_617, %gather3A : vector<16xf32>
          scf.yield %add3A_620 : vector<16xf32>
        }
        %scan3A_612 = arith.constant 16 : i32
        %swap3A_613 = arith.index_cast %add3A_46 : i32 to index
        %swap3A_614 = tpu.vector_load %arg12[%swap3A_613] {strides = array<i32>} : memref<512xf32, #tpu.memory_space<vmem>>, vector<16xf32>,
        tpu.vector_store %arg12[%swap3A_613], %scan3A_611 {strides = array<i32>} : memref<512xf32, #tpu.memory_space<vmem>>, vector<16xf32>,
        %scan3A_615 = arith.constant 0 : i32
        scf.yield %scan3A_615 : i32
      }
      %scan3A_40 = arith.constant 2 : i32
      %scan3A_41 = arith.constant 0 : i32
      scf.yield %scan3A_41 : i32
    }
    %scan3A_8 = arith.constant 16 : i32
    "tpu.region"() ({
      %run_scoped3A = tpu.sem_alloc : memref<!tpu.dma_semaphore, #tpu.memory_space<semaphore_mem>>
      %dma_start3A = tpu.memref_slice %arg6[%mul3A_2] : memref<16384xf32, #tpu.memory_space<hbm>> -> memref<512xf32, #tpu.memory_space<hbm>>
      %dma_start3A_9 = tpu.memref_slice %arg6[%mul3A_2] : memref<16384xf32, #tpu.memory_space<hbm>> -> memref<512xf32, #tpu.memory_space<hbm>>
      tpu.enqueue_dma source(%arg12 : memref<512xf32, #tpu.memory_space<vmem>>) target(%dma_start3A_9 : memref<512xf32, #tpu.memory_space<hbm>>) target_semaphore(%run_scoped3A : memref<!tpu.dma_semaphore, #tpu.memory_space<semaphore_mem>>)
      %dma_wait3A = tpu.memref_slice %arg6[%mul3A_2] : memref<16384xf32, #tpu.memory_space<hbm>> -> memref<512xf32, #tpu.memory_space<hbm>>
      %dma_wait3A_10 = tpu.memref_slice %arg6[%mul3A_2] : memref<16384xf32, #tpu.memory_space<hbm>> -> memref<512xf32, #tpu.memory_space<hbm>>
      tpu.wait_dma2 semaphore(%run_scoped3A : memref<!tpu.dma_semaphore, #tpu.memory_space<semaphore_mem>>) src(%arg12 : memref<512xf32, #tpu.memory_space<vmem>>) dst(%dma_wait3A_10 : memref<512xf32, #tpu.memory_space<hbm>>)
      tpu.yield
    }) : () -> ()
    return
  }
}

</mosaic_0001>

<sc_bundles>
// kernel: _run.3.cloned.1.call-start
scs
__scs_entry_jumppad:
0x0: {  	(pc) =	sbr.rel $0x88, $3  }
0x1: {  	(tag) =	ssettag $0x0;
	lr =	simm.s32 $0x1  }
0x2: {  	[smem:$0x3F9D] =	sst lr;
	_ =	strace $0xD0000000  }
0x3: {  	_ = 	snop  }
0x4: {  	_ = 	snop  }
0x5: {  	_ = 	snop  }
0x6: {  	_ = 	snop  }
0x7: {  	_ = 	snop  }
__scs_overlays_trampoline_lowered:
0x8: {  	[smem:$0x3FAC] =	sst s0  }
0x9: {  	[smem:$0x3FAD] =	sst s1  }
0xa: {  	[smem:$0x3FAE] =	sst s2  }
0xb: {  	[smem:$0x3FAF] =	sst s3  }
0xc: {  	[smem:$0x3FB0] =	sst s4  }
0xd: {  	[smem:$0x3FB1] =	sst s5  }
0xe: {  	[smem:$0x3FB2] =	sst s6  }
0xf: {  	[smem:$0x3FB3] =	sst s7  }
0x10: {  	[smem:$0x3FB4] =	sst s8  }
0x11: {  	[smem:$0x3FB5] =	sst s9;
	s0 =	simm.s32 @!p0 $0x0  }
0x12: {  	s1 =	sld [smem:$0x3F9B];
	s0 =	simm.s32 @p0 $0x1  }
0x13: {  	[smem:$0x3FB6] =	sst s0;
	s0 =	simm.s32 @!p1 $0x0  }
0x14: {  	s2 =	sld [smem:$0x3F9A];
	s0 =	simm.s32 @p1 $0x1  }
0x15: {  	[smem:$0x3FB7] =	sst s0;
	s0 =	simm.s32 @!p2 $0x0  }
0x16: {  	s3 =	sld [smem:$0x3FDB];
	s0 =	simm.s32 @p2 $0x1  }
0x17: {  	s4 =	simm.s32 $0x1BF5;
	[smem:$0x3FB9] =	sst s0  }
0x18: {  	s0 =	sld [smem:$0x3F9C];
	_ =	swait.ge [sflag:s4], $0x0  }
0x19: {  	s7 =	sld [smem:$0x3F9D]  }
0x1a: {  	s8 =	sadd.s32 $0xFFFFE003, lr  }
0x1b: {  	s9 =	sadd.s32 $0xFFFFFEF7, lr;
	s5 =	simm.s32 $0xFFFFFFFF;
	p2 =	slt.u32 s8, $0xFFFFF086  }
0x1c: {  	p1 =	slt.u32 s9, $0xF7A;
	s5 =	simm.s32 @!p2 $0x0  }
0x1d: {  	s5 =	simm.s32 @p1 $0x1;
	p0 =	seq.s32 s7, s2  }
0x1e: {  	s7 =	smul.u32 @!p0 $0xF7A, s2;
	p2 =	seq.s32 @!p0 s5, $0x0  }
0x1f: {  	s9 =	smul.u32 $0xF7A, s1;
	s8 =	simm.s32 @!p0 $0x1BF5;
	p2 =	por !p2, p0  }
0x20: {  	[sflag:s8] =	ssyncset.s32 @!p0 $0xFFFFF086;
	s6 =	sadd.s32 @!p0 s3, s7;
	s7 =	simm.s32 @!p0 $0x108  }
0x21: {  	s3 =	sadd.s32 s3, s9;
	s6 =	sadd.s32 @!p0 $0x88, s6;
	s7 =	simm.s32 @p2 $0x1082  }
0x22: {  	[simem:s7], [sflag:s8] =	dma.local @!p0 [hbm:s6], $0xF7A  }
0x23: {  	s9 =	sor.u32 $0xD0000000, s2;
	s6 =	simm.s32 $0x108;
	_ =	swait.ge @!p0 [sflag:s8], $0x0  }
0x24: {  	s3 =	sadd.s32 $0x88, s3;
	s6 =	simm.s32 @!p1 $0x1082;
	[sflag:s4] =	ssyncset.s32 $0xFFFFF086  }
0x25: {  	[simem:s6], [sflag:s4] =	dma.local [hbm:s3], $0xF7A  }
0x26: {  	[smem:$0x3F9D] =	sst s1;
	(tag) =	ssettag s2;
	_ =	strace s9  }
0x27: {  	s1 =	sld [smem:$0x3FAD]  }
0x28: {  	s2 =	sld [smem:$0x3FAE]  }
0x29: {  	s4 =	sld [smem:$0x3FB0]  }
0x2a: {  	p0 =	seq.s32 s5, $0x0;
	s5 =	sld [smem:$0x3FB1]  }
0x2b: {  	s6 =	sld [smem:$0x3FB2]  }
0x2c: {  	s7 =	sld [smem:$0x3FB3]  }
0x2d: {  	s3 =	simm.s32 $0x108;
	s8 =	sld [smem:$0x3FB4]  }
0x2e: {  	s3 =	simm.s32 @!p0 $0x1082;
	s9 =	sld [smem:$0x3FB5]  }
0x2f: {  	lr =	sadd.s32 s0, s3;
	s0 =	sld [smem:$0x3FAC]  }
0x30: {  	s3 =	sld [smem:$0x3FAF]  }
0x31: {  	[smem:$0x3FB8] =	sst s10  }
0x32: {  	s10 =	sld [smem:$0x3FB6];
	_ =	sdelay $0x3  }
0x33: {  	p0 =	seq.s32 s10, $0x1;
	s10 =	sld [smem:$0x3FB8];
	_ =	sdelay $0x3  }
0x34: {  	[smem:$0x3FB8] =	sst s10  }
0x35: {  	s10 =	sld [smem:$0x3FB7];
	_ =	sdelay $0x3  }
0x36: {  	p1 =	seq.s32 s10, $0x1;
	s10 =	sld [smem:$0x3FB8];
	_ =	sdelay $0x3  }
0x37: {  	[smem:$0x3FB8] =	sst s10  }
0x38: {  	s10 =	sld [smem:$0x3FB9]  }
0x39: {  	_ = 	snop;
	(pc) =	sbr.ind lr, $3  }
0x3a: {  	_ = 	snop  }
0x3b: {  	_ = 	snop  }
0x3c: {  	p2 =	seq.s32 s10, $0x1;
	s10 =	sld [smem:$0x3FB8]  }
0x3d: {  	_ =	shalt  }
0x3e: {  	_ =	shalt  }
0x3f: {  	_ =	shalt  }
0x40: {  	_ =	shalt  }
0x41: {  	_ =	shalt  }
0x42: {  	_ =	shalt  }
0x43: {  	_ =	shalt  }
0x44: {  	_ =	shalt  }
0x45: {  	_ =	shalt  }
0x46: {  	_ =	shalt  }
0x47: {  	_ =	shalt  }
0x48: {  	_ =	shalt  }
0x49: {  	_ =	shalt  }
0x4a: {  	_ =	shalt  }
0x4b: {  	_ =	shalt  }
0x4c: {  	_ =	shalt  }
0x4d: {  	_ =	shalt  }
0x4e: {  	_ =	shalt  }
0x4f: {  	_ =	shalt  }
0x50: {  	_ =	shalt  }
0x51: {  	_ =	shalt  }
0x52: {  	_ =	shalt  }
0x53: {  	_ =	shalt  }
0x54: {  	_ =	shalt  }
0x55: {  	_ =	shalt  }
0x56: {  	_ =	shalt  }
0x57: {  	_ =	shalt  }
0x58: {  	_ =	shalt  }
0x59: {  	_ =	shalt  }
0x5a: {  	_ =	shalt  }
0x5b: {  	_ =	shalt  }
0x5c: {  	_ =	shalt  }
0x5d: {  	_ =	shalt  }
0x5e: {  	_ =	shalt  }
0x5f: {  	_ =	shalt  }
0x60: {  	_ =	shalt  }
0x61: {  	_ =	shalt  }
0x62: {  	_ =	shalt  }
0x63: {  	_ =	shalt  }
0x64: {  	_ =	shalt  }
0x65: {  	_ =	shalt  }
0x66: {  	_ =	shalt  }
0x67: {  	_ =	shalt  }
0x68: {  	_ =	shalt  }
0x69: {  	_ =	shalt  }
0x6a: {  	_ =	shalt  }
0x6b: {  	_ =	shalt  }
0x6c: {  	_ =	shalt  }
0x6d: {  	_ =	shalt  }
0x6e: {  	_ =	shalt  }
0x6f: {  	_ =	shalt  }
0x70: {  	_ =	shalt  }
0x71: {  	_ =	shalt  }
0x72: {  	_ =	shalt  }
0x73: {  	_ =	shalt  }
0x74: {  	_ =	shalt  }
0x75: {  	_ =	shalt  }
0x76: {  	_ =	shalt  }
0x77: {  	_ =	shalt  }
0x78: {  	_ =	shalt  }
0x79: {  	_ =	shalt  }
0x7a: {  	_ =	shalt  }
0x7b: {  	_ =	shalt  }
0x7c: {  	_ =	shalt  }
0x7d: {  	_ =	shalt  }
0x7e: {  	_ =	shalt  }
0x7f: {  	_ =	shalt  }
0x80: {  	_ =	shalt  }
0x81: {  	_ =	shalt  }
0x82: {  	_ =	shalt  }
0x83: {  	_ =	shalt  }
0x84: {  	_ =	shalt  }
0x85: {  	_ =	shalt  }
0x86: {  	_ =	shalt  }
0x87: {  	_ =	shalt  }
.Lfunc_end0:
.L_simem_size_0:
called_computation_lowered:
.L_overlay_start_0:
0x88: {  	s2 =	sld [smem:$0x3FD9]  }
0x89: {  	s3 =	sld [smem:$0x3FFE];
	_ =	sdelay $0x1  }
0x8a: {  	s1 =	srdreg.scid  }
0x8b: {  	s0 =	sand.u32 $0x1, s1  }
0x8c: {  	s17 =	sshll.u32 s0, $0xA;
	s2 =	sadd.s32 s3, s2  }
0x8d: {  	s2 =	sadd.s32 s2, s17  }
0x8e: {  	[smem:$0x3FC4] =	sst s2  }
0x8f: {  	_ = 	snop  }
0x90: {  	s2 =	sld [smem:$0x3FC9]  }
0x91: {  	s18 =	sld [smem:$0x3FC8]  }
0x92: {  	s4 =	sld [smem:$0x3FD0];
	(tm) =	ssettm $0x1  }
0x93: {  	s5 =	sld [smem:$0x3FFB];
	_ =	sdelay $0x3  }
0x94: {  	_ =	strace s5  }
0x95: {  	s5 =	sld [smem:$0x3FFC];
	_ =	sdelay $0x3  }
0x96: {  	_ =	strace s5  }
0x97: {  	s5 =	sld [smem:$0x3FFD];
	_ =	sdelay $0x3  }
0x98: {  	_ =	strace s5  }
0x99: {  	_ =	strace $0x8FFFFFFF  }
0x9a: {  	s19 =	sld [smem:$0x3FDB];
	_ =	sdelay $0x1  }
0x9b: {  	s6 =	simm.s32 $_scs_section_size  }
0x9c: {  	s7 =	simm.s32 $_size__tile_overlayer_lowered;
	s8 =	simm.s32 $_tile_overlayer_lowered  }
0x9d: {  	s22 =	simm.s32 $0x1BFF;
	s21 =	sshll.u32 s8, $0x1;
	s5 =	sadd.s32 s6, s19  }
0x9e: {  	s9 =	simm.s32 $0x0;
	s20 =	sshll.u32 s7, $0x1;
	s7 =	sadd.s32 s21, s5  }
0x9f: {  	[timem:s9], [sflag:s22] =	dma.local [hbm:s7], s20  }
0xa0: {  	_ =	swait.ge [sflag:s22], s20  }
0xa1: {  	s6 =	ssub.s32 $0x0, s20;
	[sflag:s22] =	ssyncset.done $0x0  }
0xa2: {  	[sflag:s22] =	ssyncadd.s32 s6;
	_ =	sdelay $0x1  }
0xa3: {  	s23 =	simm.s32 $0x1B8B  }
0xa4: {  	_ =	swait.ge [sflag:s23], $0x1  }
0xa5: {  	[sflag:s23] =	ssyncset.done $0x0  }
0xa6: {  	s25 =	simm.s32 $0x1B8E;
	s24 =	sld [smem:$0x3FFE];
	[sflag:s23] =	ssyncadd.s32 $0xFFFFFFFF  }
0xa7: {  	s26 =	simm.s32 $execute0_lowered;
	[smem:$0x3FD2] =	sst s25  }
0xa8: {  	s7 =	sshll.u32 s26, $0x1;
	_ =	strace $0x80000046;
	[dreg:$0x1] =	wrdreg $0xFFFFFFFF  }
0xa9: {  	s28 =	simm.s32 $_size_execute0_lowered;
	s5 =	sadd.s32 s5, s7;
	[dreg:$0x0] =	wrdreg $0x0  }
0xaa: {  	s7 =	sshll.u32 s28, $0x1;
	[dreg:$0x2] =	wrdreg s5  }
0xab: {  	[dreg:$0x3] =	wrdreg s7  }
0xac: {  	[dreg:$0x4] =	wrdreg $0xC0  }
0xad: {  	_ =	task [dreg:s9], $0x5FFFF  }
0xae: {  	[dreg:$0x1] =	wrdreg $0xFFFFFFFF  }
0xaf: {  	[dreg:$0x0] =	wrdreg $0x60  }
0xb0: {  	[dreg:$0x2] =	wrdreg s2  }
0xb1: {  	[dreg:$0x3] =	wrdreg s18  }
0xb2: {  	[dreg:$0x4] =	wrdreg s24  }
0xb3: {  	[dreg:$0x5] =	wrdreg s4  }
0xb4: {  	[dreg:$0x6] =	wrdreg $0x9  }
0xb5: {  	_ =	task.clear_ibuf [dreg:s9], $0x7FFFF;
	_ =	strace $0x90000046  }
0xb6: {  	s29 =	simm.s32 $0x9;
	_ =	strace $0x80000048  }
0xb7: {  	_ =	swait.ge [sflag:s29], $0x1  }
0xb8: {  	[sflag:s29] =	ssyncadd.s32 $0xFFFFFFFF  }
0xb9: {  	_ =	strace $0x90000048  }
0xba: {  	_ =	sfence  }
0xbb: {  	s30 =	sld [smem:$0x0];
	_ =	sdelay $0x2  }
0xbc: {  	s31 =	sshll.u32 s1, $0xD;
	s1 =	sshrl.u32 s1, $0x2  }
0xbd: {  	s3 =	sand.u32 $0x4000, s31;
	s1 =	sadd.s32 s1, s30  }
0xbe: {  	s0 =	sor.u32 s3, s0;
	s1 =	sshll.u32 s1, $0x11  }
0xbf: {  	s0 =	sor.u32 s1, s0  }
0xc0: {  	s0 =	sadd.s32 $0x8F2B, s0  }
0xc1: {  	[sflag:s0] =	ssyncadd.remote.s32 $0x1  }
0xc2: {  	_ =	sfence.sel $0xFFFF  }
0xc3: {  	[dreg:$0x0] =	wrdreg $0xFFFFFFFF;
	(pc) =	sbr.abs _section_cstart, $3  }
0xc4: {  	[dreg:$0x1] =	wrdreg $0xFFFFFFFF  }
0xc5: {  	_ =	task.clear_ibuf [dreg:s9], $0x2FFFF;
	_ =	strace $0x9FFFFFFF  }
0xc6: {  	(tm) =	ssettm $0x7FFFFFFF  }
0xc7: {  	_ =	shalt  }
tec
execute0_lowered:
.L_overlay_start_1:
0x0: {  	(tag) =	ssettag $0x1  }
0x1: {  	s5 =	rddreg [dreg:$0x0]  }
0x2: {  	s6 =	rddreg [dreg:$0x1]  }
0x3: {  	s4 =	rddreg [dreg:$0x2]  }
0x4: {  	s7 =	rddreg [dreg:$0x3]  }
0x5: {  	s0 =	rddreg [dreg:$0x4];
	s1 =	simm.s32 $0x0  }
0x6: {  	s8 =	srdreg.scid;
	s2 =	stileid.u32;
	s12 =	simm.s32 $0x2  }
0x7: {  	s13 =	simm.s32 $0x10400;
	s14 =	simm.s32 $0x10500;
	s15 =	simm.s32 $0x0  }
0x8: {  	[smem:$0x7FF] =	sst s1;
	s3 =	sadd.s32 $0x187000, s4;
	s8 =	sand.u32 $0x1, s8  }
0x9: {  	s10 =	sshll.u32 s2, $0x7;
	s4 =	sadd.s32 $0x400, s4;
	s9 =	ssub.s32 $0x2, s8  }
0xa: {  	_ =	strace $0x80000047;
	s8 =	sshll.u32 s8, $0x6;
	s11 =	sshrl.u32 s9, $0x1  }
0xb: {  	v0 =	vlaneseq.u32;
	s8 =	sor.u32 s8, s10;
	s10 =	simm.s32 $0x200;
	s9 =	ssub.s32 s9, s11  }
0xc: {  	v0 =	vmul.u32 $0x10, v0;
	s5 =	sadd.s32 s5, s8;
	s6 =	sadd.s32 s6, s8;
	s7 =	sadd.s32 s7, s8  }
0xd: {  	s11 =	simm.s32 $0x1;
	s8 =	smax.u32 s9, $0x1;
	s9 =	simm.s32 $0x3  }
.LBB2_1:
0xe: {  	[tilespmem:s1], [sflag:$0x3] =	stream.linear.gather [hbm4b:s5+s1], $0x200, $0x38;
	[tilespmem:$0x10700] =	vst v63  }
0xf: {  	_ =	swait.ge [sflag:s9], $0x200  }
0x10: {  	[sflag:s9] =	ssyncset.done $0x0  }
0x11: {  	[sflag:s9] =	ssyncadd.s32 $0xFFFFFE00  }
0x12: {  	[tilespmem:s10], [sflag:$0x3] =	stream.linear.gather [hbm4b:s6+s1], $0x200, $0x38;
	[tilespmem:$0x10700] =	vst v63  }
0x13: {  	_ =	swait.ge [sflag:s9], $0x200  }
0x14: {  	[sflag:s9] =	ssyncset.done $0x0  }
0x15: {  	s16 =	simm.s32 $0x0;
	[sflag:s9] =	ssyncadd.s32 $0xFFFFFE00  }
.LBB2_2:
0x16: {  	s17 =	sshll.u32 s16, $0x5;
	s18 =	simm.s32 $0x0;
	p0 =	por $0x1, $0x1  }
.LBB2_3:
0x17: {  	s19 =	sshll.u32 s18, $0x4  }
0x18: {  	s19 =	sor.u32 s17, s19  }
0x19: {  	v1 =	vld [tilespmem:s19+$0x0];
	_ =	sdelay $0x1  }
0x1a: {  	v3 =	vld [tilespmem:s19+$0x200];
	_ =	sdelay $0x2  }
0x1b: {  	v2 =	vshll.u32 v1, $0x4  }
0x1c: {  	(v2sf) =	vpush v2, $0x0  }
0x1d: {  	v1 =	vshll.u32 v3, $0x4  }
0x1e: {  	(v2sf) =	vpush v1, $0x0;
	_ =	sdelay $0x1  }
0x1f: {  	(v2sf) =	vpush v2, $0x1;
	_ =	sdelay $0x4  }
0x20: {  	(v2sf) =	vpush v1, $0x1;
	_ =	sdelay $0x5  }
0x21: {  	s20 =	spop (v2sf);
	(v2sf) =	vpush v2, $0x2;
	_ =	sdelay $0x1  }
0x22: {  	s21 =	spop (v2sf);
	(v2sf) =	vpush v1, $0x2;
	_ =	sdelay $0x1  }
0x23: {  	s23 =	spop (v2sf);
	(v2sf) =	vpush v2, $0x3;
	_ =	sdelay $0x4  }
0x24: {  	s25 =	spop (v2sf);
	(v2sf) =	vpush v1, $0x3;
	_ =	sdelay $0x2  }
0x25: {  	s18 =	sshll.u32 s18, $0xE;
	s19 =	sand.u32 $0xFFFFF80, s20  }
0x26: {  	s20 =	sor.u32 $0x400, s18;
	s19 =	sadd.s32 s3, s19  }
0x27: {  	[tilespmem:s20], [sflag:$0x1] =	stream.linear.gather [hbm4b:s19+s1], $0x400, $0x38;
	[tilespmem:$0x10700] =	vst v63  }
0x28: {  	s28 =	spop (v2sf);
	(v2sf) =	vpush v2, $0x4  }
0x29: {  	s19 =	sand.u32 $0xFFFFF80, s21  }
0x2a: {  	s22 =	sadd.s32 $0x8400, s18;
	s19 =	sadd.s32 s4, s19;
	s30 =	spop (v2sf);
	(v2sf) =	vpush v1, $0x4  }
0x2b: {  	[tilespmem:s22], [sflag:$0x2] =	stream.linear.gather [hbm4b:s19+s1], $0x400, $0x38;
	[tilespmem:$0x10700] =	vst v63  }
0x2c: {  	s21 =	spop (v2sf);
	(v2sf) =	vpush v2, $0x5  }
0x2d: {  	s19 =	sand.u32 $0xFFFFF80, s23  }
0x2e: {  	s24 =	sor.u32 $0x800, s18;
	s19 =	sadd.s32 s3, s19  }
0x2f: {  	[tilespmem:s24], [sflag:$0x1] =	stream.linear.gather [hbm4b:s19+s1], $0x400, $0x38;
	[tilespmem:$0x10700] =	vst v63  }
0x30: {  	s19 =	sand.u32 $0xFFFFF80, s25  }
0x31: {  	s26 =	sadd.s32 $0x8800, s18;
	s19 =	sadd.s32 s4, s19;
	s23 =	spop (v2sf);
	(v2sf) =	vpush v1, $0x5  }
0x32: {  	[tilespmem:s26], [sflag:$0x2] =	stream.linear.gather [hbm4b:s19+s1], $0x400, $0x38;
	[tilespmem:$0x10700] =	vst v63  }
0x33: {  	s19 =	sand.u32 $0xFFFFF80, s28  }
0x34: {  	s29 =	sor.u32 $0xC00, s18;
	s19 =	sadd.s32 s3, s19  }
0x35: {  	[tilespmem:s29], [sflag:$0x1] =	stream.linear.gather [hbm4b:s19+s1], $0x400, $0x38;
	[tilespmem:$0x10700] =	vst v63  }
0x36: {  	s19 =	sand.u32 $0xFFFFF80, s30  }
0x37: {  	s31 =	sadd.s32 $0x8C00, s18;
	s19 =	sadd.s32 s4, s19;
	s25 =	spop (v2sf);
	(v2sf) =	vpush v2, $0x6  }
0x38: {  	[tilespmem:s31], [sflag:$0x2] =	stream.linear.gather [hbm4b:s19+s1], $0x400, $0x38;
	[tilespmem:$0x10700] =	vst v63  }
0x39: {  	s28 =	spop (v2sf);
	(v2sf) =	vpush v1, $0x6  }
0x3a: {  	s19 =	sand.u32 $0xFFFFF80, s21  }
0x3b: {  	s22 =	sor.u32 $0x1000, s18;
	s19 =	sadd.s32 s3, s19;
	s30 =	spop (v2sf);
	(v2sf) =	vpush v2, $0x7  }
0x3c: {  	[tilespmem:s22], [sflag:$0x1] =	stream.linear.gather [hbm4b:s19+s1], $0x400, $0x38;
	[tilespmem:$0x10700] =	vst v63  }
0x3d: {  	s19 =	sand.u32 $0xFFFFF80, s23  }
0x3e: {  	s24 =	sadd.s32 $0x9000, s18;
	s19 =	sadd.s32 s4, s19  }
0x3f: {  	[tilespmem:s24], [sflag:$0x2] =	stream.linear.gather [hbm4b:s19+s1], $0x400, $0x38;
	[tilespmem:$0x10700] =	vst v63  }
0x40: {  	s19 =	sand.u32 $0xFFFFF80, s25;
	s21 =	spop (v2sf);
	(v2sf) =	vpush v1, $0x7  }
0x41: {  	s26 =	sor.u32 $0x1400, s18;
	s19 =	sadd.s32 s3, s19  }
0x42: {  	[tilespmem:s26], [sflag:$0x1] =	stream.linear.gather [hbm4b:s19+s1], $0x400, $0x38;
	[tilespmem:$0x10700] =	vst v63  }
0x43: {  	s19 =	sand.u32 $0xFFFFF80, s28  }
0x44: {  	s29 =	sadd.s32 $0x9400, s18;
	s19 =	sadd.s32 s4, s19  }
0x45: {  	[tilespmem:s29], [sflag:$0x2] =	stream.linear.gather [hbm4b:s19+s1], $0x400, $0x38;
	[tilespmem:$0x10700] =	vst v63  }
0x46: {  	s23 =	spop (v2sf);
	(v2sf) =	vpush v2, $0x8  }
0x47: {  	s19 =	sand.u32 $0xFFFFF80, s30  }
0x48: {  	s31 =	sor.u32 $0x1800, s18;
	s19 =	sadd.s32 s3, s19;
	s25 =	spop (v2sf);
	(v2sf) =	vpush v1, $0x8  }
0x49: {  	[tilespmem:s31], [sflag:$0x1] =	stream.linear.gather [hbm4b:s19+s1], $0x400, $0x38;
	[tilespmem:$0x10700] =	vst v63  }
0x4a: {  	s28 =	spop (v2sf);
	(v2sf) =	vpush v2, $0x9  }
0x4b: {  	s19 =	sand.u32 $0xFFFFF80, s21  }
0x4c: {  	s22 =	sadd.s32 $0x9800, s18;
	s19 =	sadd.s32 s4, s19  }
0x4d: {  	[tilespmem:s22], [sflag:$0x2] =	stream.linear.gather [hbm4b:s19+s1], $0x400, $0x38;
	[tilespmem:$0x10700] =	vst v63  }
0x4e: {  	s19 =	sand.u32 $0xFFFFF80, s23  }
0x4f: {  	s24 =	sor.u32 $0x1C00, s18;
	s19 =	sadd.s32 s3, s19;
	s30 =	spop (v2sf);
	(v2sf) =	vpush v1, $0x9  }
0x50: {  	[tilespmem:s24], [sflag:$0x1] =	stream.linear.gather [hbm4b:s19+s1], $0x400, $0x38;
	[tilespmem:$0x10700] =	vst v63  }
0x51: {  	s19 =	sand.u32 $0xFFFFF80, s25  }
0x52: {  	s26 =	sadd.s32 $0x9C00, s18;
	s19 =	sadd.s32 s4, s19  }
0x53: {  	[tilespmem:s26], [sflag:$0x2] =	stream.linear.gather [hbm4b:s19+s1], $0x400, $0x38;
	[tilespmem:$0x10700] =	vst v63  }
0x54: {  	s19 =	sand.u32 $0xFFFFF80, s28  }
0x55: {  	s29 =	sor.u32 $0x2000, s18;
	s19 =	sadd.s32 s3, s19;
	s21 =	spop (v2sf);
	(v2sf) =	vpush v2, $0xA  }
0x56: {  	[tilespmem:s29], [sflag:$0x1] =	stream.linear.gather [hbm4b:s19+s1], $0x400, $0x38;
	[tilespmem:$0x10700] =	vst v63  }
0x57: {  	s23 =	spop (v2sf);
	(v2sf) =	vpush v1, $0xA  }
0x58: {  	s19 =	sand.u32 $0xFFFFF80, s30  }
0x59: {  	s31 =	sadd.s32 $0xA000, s18;
	s19 =	sadd.s32 s4, s19;
	s25 =	spop (v2sf);
	(v2sf) =	vpush v2, $0xB  }
0x5a: {  	[tilespmem:s31], [sflag:$0x2] =	stream.linear.gather [hbm4b:s19+s1], $0x400, $0x38;
	[tilespmem:$0x10700] =	vst v63  }
0x5b: {  	s19 =	sand.u32 $0xFFFFF80, s21  }
0x5c: {  	s22 =	sor.u32 $0x2400, s18;
	s19 =	sadd.s32 s3, s19  }
0x5d: {  	[tilespmem:s22], [sflag:$0x1] =	stream.linear.gather [hbm4b:s19+s1], $0x400, $0x38;
	[tilespmem:$0x10700] =	vst v63  }
0x5e: {  	s19 =	sand.u32 $0xFFFFF80, s23;
	s28 =	spop (v2sf);
	(v2sf) =	vpush v1, $0xB  }
0x5f: {  	s24 =	sadd.s32 $0xA400, s18;
	s19 =	sadd.s32 s4, s19  }
0x60: {  	[tilespmem:s24], [sflag:$0x2] =	stream.linear.gather [hbm4b:s19+s1], $0x400, $0x38;
	[tilespmem:$0x10700] =	vst v63  }
0x61: {  	s19 =	sand.u32 $0xFFFFF80, s25  }
0x62: {  	s26 =	sor.u32 $0x2800, s18;
	s19 =	sadd.s32 s3, s19  }
0x63: {  	[tilespmem:s26], [sflag:$0x1] =	stream.linear.gather [hbm4b:s19+s1], $0x400, $0x38;
	[tilespmem:$0x10700] =	vst v63  }
0x64: {  	s30 =	spop (v2sf);
	(v2sf) =	vpush v2, $0xC  }
0x65: {  	s19 =	sand.u32 $0xFFFFF80, s28  }
0x66: {  	s29 =	sadd.s32 $0xA800, s18;
	s19 =	sadd.s32 s4, s19;
	s21 =	spop (v2sf);
	(v2sf) =	vpush v1, $0xC  }
0x67: {  	[tilespmem:s29], [sflag:$0x2] =	stream.linear.gather [hbm4b:s19+s1], $0x400, $0x38;
	[tilespmem:$0x10700] =	vst v63  }
0x68: {  	s23 =	spop (v2sf);
	(v2sf) =	vpush v2, $0xD  }
0x69: {  	s19 =	sand.u32 $0xFFFFF80, s30  }
0x6a: {  	s31 =	sor.u32 $0x2C00, s18;
	s19 =	sadd.s32 s3, s19  }
0x6b: {  	[tilespmem:s31], [sflag:$0x1] =	stream.linear.gather [hbm4b:s19+s1], $0x400, $0x38;
	[tilespmem:$0x10700] =	vst v63  }
0x6c: {  	s19 =	sand.u32 $0xFFFFF80, s21  }
0x6d: {  	s22 =	sadd.s32 $0xAC00, s18;
	s25 =	spop (v2sf);
	s19 =	sadd.s32 s4, s19  }
0x6e: {  	(v2sf) =	vpush v1, $0xD;
	[tilespmem:s22], [sflag:$0x2] =	stream.linear.gather [hbm4b:s19+s1], $0x400, $0x38;
	[tilespmem:$0x10700] =	vst v63  }
0x6f: {  	s19 =	sand.u32 $0xFFFFF80, s23  }
0x70: {  	s24 =	sor.u32 $0x3000, s18;
	s19 =	sadd.s32 s3, s19  }
0x71: {  	[tilespmem:s24], [sflag:$0x1] =	stream.linear.gather [hbm4b:s19+s1], $0x400, $0x38;
	[tilespmem:$0x10700] =	vst v63  }
0x72: {  	s19 =	sand.u32 $0xFFFFF80, s25  }
0x73: {  	s26 =	sadd.s32 $0xB000, s18;
	s19 =	sadd.s32 s4, s19;
	s28 =	spop (v2sf);
	(v2sf) =	vpush v2, $0xE  }
0x74: {  	[tilespmem:s26], [sflag:$0x2] =	stream.linear.gather [hbm4b:s19+s1], $0x400, $0x38;
	[tilespmem:$0x10700] =	vst v63  }
0x75: {  	s30 =	spop (v2sf);
	(v2sf) =	vpush v1, $0xE  }
0x76: {  	s19 =	sand.u32 $0xFFFFF80, s28  }
0x77: {  	s29 =	sor.u32 $0x3400, s18;
	s19 =	sadd.s32 s3, s19;
	s20 =	spop (v2sf)  }
0x78: {  	(v2sf) =	vpush v2, $0xF;
	[tilespmem:s29], [sflag:$0x1] =	stream.linear.gather [hbm4b:s19+s1], $0x400, $0x38;
	[tilespmem:$0x10700] =	vst v63  }
0x79: {  	s19 =	sand.u32 $0xFFFFF80, s30  }
0x7a: {  	s31 =	sadd.s32 $0xB400, s18;
	s19 =	sadd.s32 s4, s19  }
0x7b: {  	[tilespmem:s31], [sflag:$0x2] =	stream.linear.gather [hbm4b:s19+s1], $0x400, $0x38;
	[tilespmem:$0x10700] =	vst v63  }
0x7c: {  	s19 =	sand.u32 $0xFFFFF80, s20  }
0x7d: {  	s21 =	sor.u32 $0x3800, s18;
	s22 =	spop (v2sf);
	(v2sf) =	vpush v1, $0xF;
	s19 =	sadd.s32 s3, s19  }
0x7e: {  	[tilespmem:s21], [sflag:$0x1] =	stream.linear.gather [hbm4b:s19+s1], $0x400, $0x38;
	[tilespmem:$0x10700] =	vst v63  }
0x7f: {  	s19 =	sand.u32 $0xFFFFF80, s22  }
0x80: {  	s23 =	sadd.s32 $0xB800, s18;
	s19 =	sadd.s32 s4, s19  }
0x81: {  	[tilespmem:s23], [sflag:$0x2] =	stream.linear.gather [hbm4b:s19+s1], $0x400, $0x38;
	[tilespmem:$0x10700] =	vst v63  }
0x82: {  	s24 =	spop (v2sf)  }
0x83: {  	s19 =	sand.u32 $0xFFFFF80, s24  }
0x84: {  	s25 =	sor.u32 $0x3C00, s18;
	s26 =	spop (v2sf);
	s19 =	sadd.s32 s3, s19  }
0x85: {  	[tilespmem:s25], [sflag:$0x1] =	stream.linear.gather [hbm4b:s19+s1], $0x400, $0x38;
	[tilespmem:$0x10700] =	vst v63  }
0x86: {  	s19 =	sand.u32 $0xFFFFF80, s26  }
0x87: {  	s28 =	sadd.s32 $0xBC00, s18;
	s29 =	spop (v2sf);
	s19 =	sadd.s32 s4, s19  }
0x88: {  	[tilespmem:s28], [sflag:$0x2] =	stream.linear.gather [hbm4b:s19+s1], $0x400, $0x38;
	[tilespmem:$0x10700] =	vst v63  }
0x89: {  	s19 =	sand.u32 $0xFFFFF80, s29  }
0x8a: {  	p1 =	por p0, p0;
	s30 =	sadd.s32 $0x4000, s18;
	s19 =	sadd.s32 s3, s19  }
0x8b: {  	[tilespmem:s30], [sflag:$0x1] =	stream.linear.gather [hbm4b:s19+s1], $0x400, $0x38;
	[tilespmem:$0x10700] =	vst v63  }
.Ltmp0:
0x8c: {  	s31 =	spop (v2sf);
	(pc) =	sbr.rel @p1 .LBB2_3-.Ltmp0, $4  }
0x8d: {  	s19 =	sand.u32 $0xFFFFF80, s31  }
0x8e: {  	s18 =	sadd.s32 $0xC000, s18;
	s19 =	sadd.s32 s4, s19  }
0x8f: {  	[tilespmem:s18], [sflag:$0x2] =	stream.linear.gather [hbm4b:s19+s1], $0x400, $0x38;
	[tilespmem:$0x10700] =	vst v63  }
0x90: {  	p0 =	por $0x0, $0x0;
	s18 =	simm.s32 $0x1  }
0x91: {  	_ =	swait.ge [sflag:s11], $0x8000  }
0x92: {  	[sflag:s11] =	ssyncset.done $0x0  }
0x93: {  	[sflag:s11] =	ssyncadd.s32 $0xFFFF8000  }
0x94: {  	_ =	swait.ge [sflag:s12], $0x8000  }
0x95: {  	s18 =	simm.s32 $0x0;
	[sflag:s12] =	ssyncset.done $0x0  }
0x96: {  	p0 =	por $0x1, $0x1;
	s20 =	simm.s32 $0x0;
	[sflag:s12] =	ssyncadd.s32 $0xFFFF8000  }
.LBB2_5:
0x97: {  	s19 =	sshll.u32 s20, $0x4  }
0x98: {  	s19 =	sor.u32 s17, s19  }
0x99: {  	v1 =	vld [tilespmem:s19+$0x0];
	_ =	sdelay $0x1  }
0x9a: {  	v2 =	vld [tilespmem:s19+$0x200];
	_ =	sdelay $0x2  }
0x9b: {  	(v2sf) =	vpush v1, $0x0;
	_ =	sdelay $0x1  }
0x9c: {  	(v2sf) =	vpush v2, $0x0;
	_ =	sdelay $0xa  }
0x9d: {  	(v2sf) =	vpush v1, $0x1  }
0x9e: {  	(v2sf) =	vpush v2, $0x1  }
0x9f: {  	s21 =	spop (v2sf)  }
0xa0: {  	s20 =	sshll.u32 s20, $0x7;
	s21 =	sand.u32 $0x7, s21  }
0xa1: {  	s22 =	spop (v2sf);
	s21 =	sor.u32 s20, s21  }
0xa2: {  	s22 =	sand.u32 $0x7, s22;
	s21 =	sshll.u32 s21, $0x7  }
0xa3: {  	s22 =	sor.u32 s20, s22;
	s21 =	sand.u32 $0x3FFFC380, s21  }
0xa4: {  	s22 =	sshll.u32 s22, $0x7;
	v3 =	vld [tilespmem:s21+$0x400]  }
0xa5: {  	s22 =	sand.u32 $0x3FFFC380, s22;
	v5 =	vld [tilespmem:s21+$0x410]  }
0xa6: {  	v4 =	vld [tilespmem:s22+$0x8400]  }
0xa7: {  	v6 =	vld [tilespmem:s22+$0x8410];
	_ =	sdelay $0x2  }
0xa8: {  	(v2sf) =	vpush v1, $0x2  }
0xa9: {  	(v2sf) =	vpush v2, $0x2  }
0xaa: {  	s26 =	spop (v2sf);
	v3 =	vmul.f32 v4, v3;
	v10 =	vmul.f32 v6, v5  }
0xab: {  	s28 =	sor.u32 $0x8, s20;
	s23 =	spop (v2sf);
	s21 =	sand.u32 $0x7, s26  }
0xac: {  	s23 =	sand.u32 $0x7, s23;
	s21 =	sor.u32 s28, s21;
	v3 =	vadd.f32 v10, v3  }
0xad: {  	s22 =	sor.u32 s28, s23;
	s21 =	sshll.u32 s21, $0x7  }
0xae: {  	s22 =	sshll.u32 s22, $0x7;
	s21 =	sand.u32 $0x3FFFC780, s21;
	[tilespmem:$0x10400] =	vst v3  }
0xaf: {  	s22 =	sand.u32 $0x3FFFC780, s22;
	v3 =	vld [tilespmem:s21+$0x400]  }
0xb0: {  	v11 =	vld [tilespmem:s22+$0x8400]  }
0xb1: {  	v12 =	vld [tilespmem:s21+$0x410]  }
0xb2: {  	v13 =	vld [tilespmem:s22+$0x8410];
	_ =	sdelay $0x2  }
0xb3: {  	(v2sf) =	vpush v1, $0x3  }
0xb4: {  	(v2sf) =	vpush v2, $0x3  }
0xb5: {  	s29 =	spop (v2sf);
	v3 =	vmul.f32 v11, v3;
	v14 =	vmul.f32 v13, v12  }
0xb6: {  	s30 =	sor.u32 $0x10, s20;
	s21 =	sand.u32 $0x7, s29;
	s31 =	spop (v2sf)  }
0xb7: {  	s21 =	sor.u32 s30, s21;
	s23 =	sand.u32 $0x7, s31;
	v3 =	vadd.f32 v14, v3  }
0xb8: {  	s22 =	sor.u32 s30, s23;
	s21 =	sshll.u32 s21, $0x7  }
0xb9: {  	s21 =	sand.u32 $0x3FFFCB80, s21;
	s22 =	sshll.u32 s22, $0x7;
	[tilespmem:$0x10410] =	vst v3  }
0xba: {  	s22 =	sand.u32 $0x3FFFCB80, s22;
	v3 =	vld [tilespmem:s21+$0x400]  }
0xbb: {  	v15 =	vld [tilespmem:s22+$0x8400]  }
0xbc: {  	v16 =	vld [tilespmem:s21+$0x410]  }
0xbd: {  	v17 =	vld [tilespmem:s22+$0x8410];
	_ =	sdelay $0x2  }
0xbe: {  	(v2sf) =	vpush v1, $0x4  }
0xbf: {  	(v2sf) =	vpush v2, $0x4  }
0xc0: {  	s23 =	spop (v2sf);
	v3 =	vmul.f32 v15, v3;
	v18 =	vmul.f32 v17, v16  }
0xc1: {  	s24 =	sor.u32 $0x18, s20;
	s25 =	spop (v2sf);
	s21 =	sand.u32 $0x7, s23  }
0xc2: {  	s23 =	sand.u32 $0x7, s25;
	s21 =	sor.u32 s24, s21;
	v3 =	vadd.f32 v18, v3  }
0xc3: {  	s22 =	sor.u32 s24, s23;
	s21 =	sshll.u32 s21, $0x7  }
0xc4: {  	s22 =	sshll.u32 s22, $0x7;
	s21 =	sand.u32 $0x3FFFCF80, s21;
	[tilespmem:$0x10420] =	vst v3  }
0xc5: {  	s22 =	sand.u32 $0x3FFFCF80, s22;
	v3 =	vld [tilespmem:s21+$0x400]  }
0xc6: {  	v19 =	vld [tilespmem:s22+$0x8400]  }
0xc7: {  	v20 =	vld [tilespmem:s21+$0x410]  }
0xc8: {  	v21 =	vld [tilespmem:s22+$0x8410];
	_ =	sdelay $0x2  }
0xc9: {  	(v2sf) =	vpush v1, $0x5  }
0xca: {  	(v2sf) =	vpush v2, $0x5  }
0xcb: {  	s26 =	spop (v2sf);
	v3 =	vmul.f32 v19, v3;
	v22 =	vmul.f32 v21, v20  }
0xcc: {  	s28 =	sor.u32 $0x20, s20;
	s29 =	spop (v2sf);
	s21 =	sand.u32 $0x7, s26  }
0xcd: {  	s23 =	sand.u32 $0x7, s29;
	s21 =	sor.u32 s28, s21;
	v3 =	vadd.f32 v22, v3  }
0xce: {  	s22 =	sor.u32 s28, s23;
	s21 =	sshll.u32 s21, $0x7  }
0xcf: {  	s22 =	sshll.u32 s22, $0x7;
	s21 =	sand.u32 $0x3FFFD380, s21;
	[tilespmem:$0x10430] =	vst v3  }
0xd0: {  	s22 =	sand.u32 $0x3FFFD380, s22;
	v3 =	vld [tilespmem:s21+$0x400]  }
0xd1: {  	v23 =	vld [tilespmem:s22+$0x8400]  }
0xd2: {  	v24 =	vld [tilespmem:s21+$0x410]  }
0xd3: {  	v25 =	vld [tilespmem:s22+$0x8410];
	_ =	sdelay $0x2  }
0xd4: {  	(v2sf) =	vpush v1, $0x6  }
0xd5: {  	(v2sf) =	vpush v2, $0x6  }
0xd6: {  	s30 =	spop (v2sf);
	v3 =	vmul.f32 v23, v3;
	v26 =	vmul.f32 v25, v24  }
0xd7: {  	s31 =	sor.u32 $0x28, s20;
	s24 =	spop (v2sf);
	s21 =	sand.u32 $0x7, s30  }
0xd8: {  	s23 =	sand.u32 $0x7, s24;
	s21 =	sor.u32 s31, s21;
	v3 =	vadd.f32 v26, v3  }
0xd9: {  	s22 =	sor.u32 s31, s23;
	s21 =	sshll.u32 s21, $0x7  }
0xda: {  	s22 =	sshll.u32 s22, $0x7;
	s21 =	sand.u32 $0x3FFFD780, s21;
	[tilespmem:$0x10440] =	vst v3  }
0xdb: {  	s22 =	sand.u32 $0x3FFFD780, s22;
	v3 =	vld [tilespmem:s21+$0x400]  }
0xdc: {  	v27 =	vld [tilespmem:s22+$0x8400]  }
0xdd: {  	v28 =	vld [tilespmem:s21+$0x410]  }
0xde: {  	v29 =	vld [tilespmem:s22+$0x8410];
	_ =	sdelay $0x2  }
0xdf: {  	(v2sf) =	vpush v1, $0x7  }
0xe0: {  	(v2sf) =	vpush v2, $0x7  }
0xe1: {  	s25 =	spop (v2sf);
	v3 =	vmul.f32 v27, v3;
	v30 =	vmul.f32 v29, v28  }
0xe2: {  	s26 =	sor.u32 $0x30, s20;
	s28 =	spop (v2sf);
	s21 =	sand.u32 $0x7, s25  }
0xe3: {  	s23 =	sand.u32 $0x7, s28;
	s21 =	sor.u32 s26, s21;
	v3 =	vadd.f32 v30, v3  }
0xe4: {  	s22 =	sor.u32 s26, s23;
	s21 =	sshll.u32 s21, $0x7  }
0xe5: {  	s22 =	sshll.u32 s22, $0x7;
	s21 =	sand.u32 $0x3FFFDB80, s21;
	[tilespmem:$0x10450] =	vst v3  }
0xe6: {  	s22 =	sand.u32 $0x3FFFDB80, s22;
	v3 =	vld [tilespmem:s21+$0x400]  }
0xe7: {  	v31 =	vld [tilespmem:s22+$0x8400]  }
0xe8: {  	v32 =	vld [tilespmem:s21+$0x410]  }
0xe9: {  	v33 =	vld [tilespmem:s22+$0x8410];
	_ =	sdelay $0x2  }
0xea: {  	(v2sf) =	vpush v1, $0x8  }
0xeb: {  	(v2sf) =	vpush v2, $0x8  }
0xec: {  	s29 =	spop (v2sf);
	v3 =	vmul.f32 v31, v3;
	v34 =	vmul.f32 v33, v32  }
0xed: {  	s30 =	sor.u32 $0x38, s20;
	s31 =	spop (v2sf);
	s21 =	sand.u32 $0x7, s29  }
0xee: {  	s23 =	sand.u32 $0x7, s31;
	s21 =	sor.u32 s30, s21;
	v3 =	vadd.f32 v34, v3  }
0xef: {  	s22 =	sor.u32 s30, s23;
	s21 =	sshll.u32 s21, $0x7  }
0xf0: {  	s22 =	sshll.u32 s22, $0x7;
	s21 =	sand.u32 $0x3FFFDF80, s21;
	[tilespmem:$0x10460] =	vst v3  }
0xf1: {  	s22 =	sand.u32 $0x3FFFDF80, s22;
	v3 =	vld [tilespmem:s21+$0x400]  }
0xf2: {  	v35 =	vld [tilespmem:s22+$0x8400]  }
0xf3: {  	v36 =	vld [tilespmem:s21+$0x410]  }
0xf4: {  	v37 =	vld [tilespmem:s22+$0x8410];
	_ =	sdelay $0x2  }
0xf5: {  	(v2sf) =	vpush v1, $0x9  }
0xf6: {  	(v2sf) =	vpush v2, $0x9  }
0xf7: {  	s23 =	spop (v2sf);
	v3 =	vmul.f32 v35, v3;
	v38 =	vmul.f32 v37, v36  }
0xf8: {  	s24 =	sor.u32 $0x40, s20;
	s25 =	spop (v2sf);
	s21 =	sand.u32 $0x7, s23  }
0xf9: {  	s23 =	sand.u32 $0x7, s25;
	s21 =	sor.u32 s24, s21;
	v3 =	vadd.f32 v38, v3  }
0xfa: {  	s22 =	sor.u32 s24, s23;
	s21 =	sshll.u32 s21, $0x7  }
0xfb: {  	s22 =	sshll.u32 s22, $0x7;
	s21 =	sand.u32 $0x3FFFE380, s21;
	[tilespmem:$0x10470] =	vst v3  }
0xfc: {  	s22 =	sand.u32 $0x3FFFE380, s22;
	v3 =	vld [tilespmem:s21+$0x400]  }
0xfd: {  	v39 =	vld [tilespmem:s22+$0x8400]  }
0xfe: {  	v40 =	vld [tilespmem:s21+$0x410]  }
0xff: {  	v41 =	vld [tilespmem:s22+$0x8410];
	_ =	sdelay $0x2  }
0x100: {  	(v2sf) =	vpush v1, $0xA  }
0x101: {  	(v2sf) =	vpush v2, $0xA  }
0x102: {  	s26 =	spop (v2sf);
	v3 =	vmul.f32 v39, v3;
	v42 =	vmul.f32 v41, v40  }
0x103: {  	s28 =	sor.u32 $0x48, s20;
	s29 =	spop (v2sf);
	s21 =	sand.u32 $0x7, s26  }
0x104: {  	s23 =	sand.u32 $0x7, s29;
	s21 =	sor.u32 s28, s21;
	v3 =	vadd.f32 v42, v3  }
0x105: {  	s22 =	sor.u32 s28, s23;
	s21 =	sshll.u32 s21, $0x7  }
0x106: {  	s22 =	sshll.u32 s22, $0x7;
	s21 =	sand.u32 $0x3FFFE780, s21;
	[tilespmem:$0x10480] =	vst v3  }
0x107: {  	s22 =	sand.u32 $0x3FFFE780, s22;
	v3 =	vld [tilespmem:s21+$0x400]  }
0x108: {  	v43 =	vld [tilespmem:s22+$0x8400]  }
0x109: {  	v44 =	vld [tilespmem:s21+$0x410]  }
0x10a: {  	v45 =	vld [tilespmem:s22+$0x8410];
	_ =	sdelay $0x2  }
0x10b: {  	(v2sf) =	vpush v1, $0xB  }
0x10c: {  	(v2sf) =	vpush v2, $0xB  }
0x10d: {  	s30 =	spop (v2sf);
	v3 =	vmul.f32 v43, v3;
	v46 =	vmul.f32 v45, v44  }
0x10e: {  	s31 =	sor.u32 $0x50, s20;
	s24 =	spop (v2sf);
	s21 =	sand.u32 $0x7, s30  }
0x10f: {  	s23 =	sand.u32 $0x7, s24;
	s21 =	sor.u32 s31, s21;
	v3 =	vadd.f32 v46, v3  }
0x110: {  	s22 =	sor.u32 s31, s23;
	s21 =	sshll.u32 s21, $0x7  }
0x111: {  	s22 =	sshll.u32 s22, $0x7;
	s21 =	sand.u32 $0x3FFFEB80, s21;
	[tilespmem:$0x10490] =	vst v3  }
0x112: {  	s22 =	sand.u32 $0x3FFFEB80, s22;
	v3 =	vld [tilespmem:s21+$0x400]  }
0x113: {  	v47 =	vld [tilespmem:s22+$0x8400]  }
0x114: {  	v48 =	vld [tilespmem:s21+$0x410]  }
0x115: {  	v49 =	vld [tilespmem:s22+$0x8410];
	_ =	sdelay $0x2  }
0x116: {  	(v2sf) =	vpush v1, $0xC  }
0x117: {  	(v2sf) =	vpush v2, $0xC  }
0x118: {  	s25 =	spop (v2sf);
	v3 =	vmul.f32 v47, v3;
	v50 =	vmul.f32 v49, v48  }
0x119: {  	s26 =	sor.u32 $0x58, s20;
	s28 =	spop (v2sf);
	s21 =	sand.u32 $0x7, s25  }
0x11a: {  	s23 =	sand.u32 $0x7, s28;
	s21 =	sor.u32 s26, s21;
	v3 =	vadd.f32 v50, v3  }
0x11b: {  	s22 =	sor.u32 s26, s23;
	s21 =	sshll.u32 s21, $0x7  }
0x11c: {  	s22 =	sshll.u32 s22, $0x7;
	s21 =	sand.u32 $0x3FFFEF80, s21;
	[tilespmem:$0x104A0] =	vst v3  }
0x11d: {  	s22 =	sand.u32 $0x3FFFEF80, s22;
	v3 =	vld [tilespmem:s21+$0x400]  }
0x11e: {  	v51 =	vld [tilespmem:s22+$0x8400]  }
0x11f: {  	v52 =	vld [tilespmem:s21+$0x410]  }
0x120: {  	v53 =	vld [tilespmem:s22+$0x8410];
	_ =	sdelay $0x2  }
0x121: {  	(v2sf) =	vpush v1, $0xD  }
0x122: {  	(v2sf) =	vpush v2, $0xD  }
0x123: {  	s29 =	spop (v2sf);
	v3 =	vmul.f32 v51, v3;
	v54 =	vmul.f32 v53, v52  }
0x124: {  	s30 =	sor.u32 $0x60, s20;
	s31 =	spop (v2sf);
	s21 =	sand.u32 $0x7, s29  }
0x125: {  	s23 =	sand.u32 $0x7, s31;
	s21 =	sor.u32 s30, s21;
	v3 =	vadd.f32 v54, v3  }
0x126: {  	s22 =	sor.u32 s30, s23;
	s21 =	sshll.u32 s21, $0x7  }
0x127: {  	s22 =	sshll.u32 s22, $0x7;
	s21 =	sand.u32 $0x3FFFF380, s21;
	[tilespmem:$0x104B0] =	vst v3  }
0x128: {  	s22 =	sand.u32 $0x3FFFF380, s22;
	v3 =	vld [tilespmem:s21+$0x400]  }
0x129: {  	v55 =	vld [tilespmem:s22+$0x8400]  }
0x12a: {  	v56 =	vld [tilespmem:s21+$0x410]  }
0x12b: {  	v57 =	vld [tilespmem:s22+$0x8410];
	_ =	sdelay $0x2  }
0x12c: {  	(v2sf) =	vpush v1, $0xE  }
0x12d: {  	(v2sf) =	vpush v2, $0xE  }
0x12e: {  	s23 =	spop (v2sf);
	v3 =	vmul.f32 v55, v3;
	v58 =	vmul.f32 v57, v56  }
0x12f: {  	s24 =	sor.u32 $0x68, s20;
	s25 =	spop (v2sf);
	s21 =	sand.u32 $0x7, s23  }
0x130: {  	s23 =	sand.u32 $0x7, s25;
	s21 =	sor.u32 s24, s21;
	v3 =	vadd.f32 v58, v3  }
0x131: {  	s22 =	sor.u32 s24, s23;
	s21 =	sshll.u32 s21, $0x7  }
0x132: {  	s22 =	sshll.u32 s22, $0x7;
	s21 =	sand.u32 $0x3FFFF780, s21;
	[tilespmem:$0x104C0] =	vst v3  }
0x133: {  	s22 =	sand.u32 $0x3FFFF780, s22;
	v3 =	vld [tilespmem:s21+$0x400]  }
0x134: {  	v59 =	vld [tilespmem:s22+$0x8400]  }
0x135: {  	v60 =	vld [tilespmem:s21+$0x410]  }
0x136: {  	v61 =	vld [tilespmem:s22+$0x8410];
	_ =	sdelay $0x2  }
0x137: {  	(v2sf) =	vpush v1, $0xF  }
0x138: {  	(v2sf) =	vpush v2, $0xF  }
0x139: {  	s26 =	spop (v2sf);
	v1 =	vmul.f32 v59, v3;
	v2 =	vmul.f32 v61, v60  }
0x13a: {  	s29 =	sor.u32 $0x70, s20;
	s28 =	spop (v2sf);
	s21 =	sand.u32 $0x7, s26  }
0x13b: {  	s22 =	sand.u32 $0x7, s28;
	s21 =	sor.u32 s29, s21;
	v1 =	vadd.f32 v2, v1  }
0x13c: {  	s22 =	sor.u32 s29, s22;
	s21 =	sshll.u32 s21, $0x7  }
0x13d: {  	s22 =	sshll.u32 s22, $0x7;
	s21 =	sand.u32 $0x3FFFFB80, s21;
	[tilespmem:$0x104D0] =	vst v1  }
0x13e: {  	s22 =	sand.u32 $0x3FFFFB80, s22;
	v1 =	vld [tilespmem:s21+$0x400]  }
0x13f: {  	v2 =	vld [tilespmem:s22+$0x8400]  }
0x140: {  	v3 =	vld [tilespmem:s21+$0x410]  }
0x141: {  	v62 =	vld [tilespmem:s22+$0x8410];
	_ =	sdelay $0x4  }
0x142: {  	s30 =	spop (v2sf);
	v1 =	vmul.f32 v2, v1;
	v2 =	vmul.f32 v62, v3  }
0x143: {  	s20 =	sor.u32 $0x78, s20;
	s31 =	spop (v2sf);
	s21 =	sand.u32 $0x7, s30  }
0x144: {  	s22 =	sand.u32 $0x7, s31;
	s21 =	sor.u32 s20, s21;
	v1 =	vadd.f32 v2, v1  }
0x145: {  	s20 =	sor.u32 s20, s22;
	s21 =	sshll.u32 s21, $0x7  }
0x146: {  	s20 =	sshll.u32 s20, $0x7;
	s21 =	sand.u32 $0x3FFFFF80, s21;
	[tilespmem:$0x104E0] =	vst v1  }
0x147: {  	s20 =	sand.u32 $0x3FFFFF80, s20;
	v1 =	vld [tilespmem:s21+$0x400]  }
0x148: {  	v2 =	vld [tilespmem:s20+$0x8400]  }
0x149: {  	v3 =	vld [tilespmem:s21+$0x410]  }
0x14a: {  	v63 =	vld [tilespmem:s20+$0x8410];
	_ =	sdelay $0x4  }
0x14b: {  	v1 =	vmul.f32 v2, v1;
	v2 =	vmul.f32 v63, v3;
	v3 =	vor.u32 s18, v0;
	_ =	sdelay $0x1  }
0x14c: {  	v1 =	vadd.f32 v2, v1;
	_ =	sdelay $0x1  }
0x14d: {  	[tilespmem:$0x104F0] =	vst v1  }
0x14e: {  	p1 =	por p0, p0;
	s20 =	simm.s32 $0x1;
	v1 =	vimm.f32 $0.0e+00;
	v2 =	vld.idx.msk [tilespmem:v3+s13+$0x0], $0xffff  }
.LBB2_6:
0x14f: {  	v3 =	vor.u32 s20, v0;
	p0 =	sne.s32 s20, $0xF;
	s20 =	sadd.s32 $0x1, s20  }
.Ltmp1:
0x150: {  	(pc) =	sbr.rel @p0 .LBB2_6-.Ltmp1, $2  }
0x151: {  	_ =	sdelay $0x2  }
0x152: {  	v1 =	vadd.f32 v2, v1;
	v2 =	vld.idx.msk [tilespmem:v3+s13+$0x0], $0xffff  }
0x153: {  	_ =	sdelay $0x1  }
.Ltmp2:
0x154: {  	_ = 	snop;
	(pc) =	sbr.rel @p1 .LBB2_5-.Ltmp2, $3  }
0x155: {  	_ = 	snop  }
0x156: {  	v1 =	vadd.f32 v2, v1;
	_ =	sdelay $0x1  }
0x157: {  	s20 =	simm.s32 $0x1;
	p0 =	por $0x0, $0x0;
	[tilespmem:s19+$0x10500] =	vst v1  }
0x158: {  	s16 =	sadd.s32 $0x1, s16  }
0x159: {  	p0 =	sne.s32 s16, $0x10  }
.Ltmp3:
0x15a: {  	_ = 	snop;
	(pc) =	sbr.rel @p0 .LBB2_2-.Ltmp3, $1  }
0x15b: {  	_ =	sdelay $0x3  }
0x15c: {  	s15 =	sadd.s32 $0x1, s15  }
0x15d: {  	p0 =	sne.s32 s15, s8  }
.Ltmp4:
0x15e: {  	_ = 	snop;
	(pc) =	sbr.rel @p0 .LBB2_1-.Ltmp4, $4  }
0x15f: {  	[hbm4b:s7+s1] =	stream.linear.scatter [tilespmem:s14], [sflag:$0x3], $0x200, $0x38;
	[tilespmem:$0x10700] =	vst v63  }
0x160: {  	_ =	swait.ge [sflag:s9], $0x200  }
0x161: {  	[sflag:s9] =	ssyncset.done $0x0  }
0x162: {  	[sflag:s9] =	ssyncadd.s32 $0xFFFFFE00  }
0x163: {  	_ =	sfence.sel $0x180000  }
0x164: {  	[bflag:$0x0] =	sbarrier.arrive $0xFFFF  }
0x165: {  	p0 =	sne.s32 s2, $0x0;
	_ =	strace $0x90000047  }
0x166: {  	s0 =	sadd.s32 @!p0 $0x100000, s0;
	[bflag:$0x2] =	sbarrier.arrive $0xFFFF  }
0x167: {  	[sflag:s0] =	ssyncadd.tile.s32 @!p0 $0x1;
	_ =	shalt  }
.Lfunc_end2:
_tile_overlayer_lowered:
.L_overlay_start_2:
0x168: {  	(tag) =	ssettag $0x2  }
0x169: {  	s0 =	rddreg [dreg:$0x0];
	s2 =	stileid.u32  }
0x16a: {  	s1 =	rddreg [dreg:$0x1];
	p0 =	sne.s32 s2, $0x0  }
0x16b: {  	s3 =	rddreg [dreg:$0x2];
	[bflag:$0x3] =	sbarrier.arrive $0xFFFF;
	s2 =	simm.s32 @!p0 $0x1C03  }
0x16c: {  	[timem:s3], [sflag:s2] =	dma.local @!p0 [hbm:s0], s1  }
0x16d: {  	s0 =	simm.s32 @!p0 $0x3  }
0x16e: {  	_ =	swait.ge @!p0 [sflag:s0], s1  }
0x16f: {  	s1 =	ssub.s32 @!p0 $0x0, s1;
	[sflag:s0] =	ssyncset.done @!p0 $0x0  }
0x170: {  	[sflag:s0] =	ssyncadd.s32 @!p0 s1  }
0x171: {  	[bflag:$0x3] =	sbarrier.arrive $0xFFFF  }
0x172: {  	_ =	shalt  }

</sc_bundles>
